<compile_context>
chip_gen: v7x
topology: tpu7x:2x2x1
jax: 0.10.2.dev20260603
libtpu: 0.0.44.dev20260713+nightly
codegen_flags: <defaults>
</compile_context>

<pallas_src>
import functools

import jax
import jax.numpy as jnp
from jax import lax
from jax.experimental import pallas as pl
from jax.experimental.pallas import tpu as pltpu
from jax.experimental.pallas import tpu_sc as plsc

NX = 625
NY = 625
NCELL = NX * NY
B = 4
F = 64
P = 12000
PP = 12032

_info = plsc.get_sparse_core_info()
NC = _info.num_cores
NS = _info.num_subcores
L = _info.num_lanes
NW = NC * NS

FG = 8
NFG = F // FG
CHUNK = 12288
SUB = 512
NSUB = CHUNK // SUB
SENT = P
CCH = PP // 2
NCELL_PAD = NW * CHUNK

_mesh = plsc.VectorSubcoreMesh(core_axis_name="c", subcore_axis_name="s")


@functools.partial(
    pl.kernel,
    mesh=_mesh,
    out_type=jax.ShapeDtypeStruct((B, NFG, FG, NCELL_PAD), jnp.float32),
    compiler_params=pltpu.CompilerParams(needs_layout_passes=False),
    scratch_types=[
        pltpu.VMEM((CHUNK,), jnp.int32),
        pltpu.VMEM((CCH,), jnp.int32),
        pltpu.VMEM((CCH,), jnp.int32),
        pltpu.VMEM((FG, PP), jnp.float32),
        pltpu.VMEM((FG, SUB), jnp.float32),
    ],
)
def _sc_scatter(feat_hbm, xs_hbm, ys_hbm, out_hbm, w_ref, cx_ref, cy_ref,
                rows_ref, o_ref):
    wid = lax.axis_index("s") * NC + lax.axis_index("c")
    lo = pl.multiple_of(wid * CHUNK, 128)

    lanes = lax.iota(jnp.int32, L)
    sent_v = jnp.full((L,), SENT, jnp.int32)
    fvecs = [jnp.full((L,), f_in, jnp.int32) for f_in in range(FG)]

    for b in range(B):
        def reset(i, carry):
            w_ref[pl.ds(i * L, L)] = sent_v
            return carry
        lax.fori_loop(0, CHUNK // L, reset, 0)

        def scan_chunk(c, carry):
            base = pl.multiple_of(c * CCH, 128)
            pltpu.sync_copy(xs_hbm.at[b, 0, pl.ds(base, CCH)], cx_ref)
            pltpu.sync_copy(ys_hbm.at[b, 0, pl.ds(base, CCH)], cy_ref)

            def scan_pillars(i, c2):
                xv = cx_ref[pl.ds(i * L, L)]
                yv = cy_ref[pl.ds(i * L, L)]
                local = yv * NX + xv - lo
                pv = lanes + (base + i * L)
                mask = (local >= 0) & (local < CHUNK) & (pv < P)
                local_c = jnp.where(mask, local, 0)
                plsc.store_scatter(w_ref, [local_c], pv, mask=mask)
                return c2
            lax.fori_loop(0, CCH // L, scan_pillars, 0)
            return carry
        lax.fori_loop(0, PP // CCH, scan_chunk, 0)

        def per_group(fg, carry):
            pltpu.sync_copy(feat_hbm.at[b, fg], rows_ref)

            def per_sub(sc, c2):
                off = pl.multiple_of(lo + sc * SUB, 128)

                def gather(j, c3):
                    idx = w_ref[pl.ds(sc * SUB + j * L, L)]
                    for f_in in range(FG):
                        o_ref[f_in, pl.ds(j * L, L)] = plsc.load_gather(
                            rows_ref, [fvecs[f_in], idx])
                    return c3
                lax.fori_loop(0, SUB // L, gather, 0)

                pltpu.sync_copy(o_ref, out_hbm.at[b, fg, :, pl.ds(off, SUB)])
                return c2
            lax.fori_loop(0, NSUB, per_sub, 0)
            return carry
        lax.fori_loop(0, NFG, per_group, 0)


def kernel(pillar_features, coords):
    feat4 = jnp.pad(pillar_features, ((0, 0), (0, 0), (0, PP - P)))
    feat4 = feat4.reshape(B, NFG, FG, PP)
    cpad = jnp.pad(coords, ((0, 0), (0, PP - P), (0, 0)))
    xs = cpad[:, :, 0].astype(jnp.int32).reshape(B, 1, PP)
    ys = cpad[:, :, 1].astype(jnp.int32).reshape(B, 1, PP)
    out = _sc_scatter(feat4, xs, ys)
    return out.reshape(B, F, NCELL_PAD)[:, :, :NCELL].reshape(B, F, NY, NX)

# --- scband reference (transcript-rebuilt; emitter-appended) ---
"""Pipeline reference for scband-scatter-layer-88665304858893 (READ-ONLY COPY).

The authoritative reference and input builder live on the scoring server;
editing this copy changes nothing except your own understanding.
"""

import jax, jax.numpy as jnp
import numpy as np

NX = 625
NY = 625


def setup_inputs(seed: int = 0) -> dict:
    key = jax.random.key(seed)
    k1, k2, k3 = jax.random.split(key, 3)
    pillar_features = jax.random.normal(k1, (4, 64, 12000), dtype=jnp.float32)
    coords_x = jax.random.randint(k2, (4, 12000, 1), 0, NX, dtype=jnp.int64 if jax.config.jax_enable_x64 else jnp.int32)
    coords_y = jax.random.randint(k3, (4, 12000, 1), 0, NY, dtype=jnp.int64 if jax.config.jax_enable_x64 else jnp.int32)
    coords = jnp.concatenate([coords_x, coords_y], axis=-1)
    return {"pillar_features": pillar_features, "coords": coords}


def reference(pillar_features, coords):
    # pillar_features: (B, F, P); coords: (B, P, 2) with (x, y) order
    # Returns BEV map (B, F, NY, NX) via scatter-overwrite, matching
    # bev_map[b, :, coords[b,:,1], coords[b,:,0]] = pillar_features[b]
    def scatter_one(feat, coord):
        # feat: (F, P), coord: (P, 2)
        bev = jnp.zeros((feat.shape[0], NY, NX), dtype=feat.dtype)
        return bev.at[:, coord[:, 1], coord[:, 0]].set(feat)

    return jax.vmap(scatter_one)(pillar_features, coords)

if __name__ == "__main__":
    import jax
    _d = setup_inputs()
    print(jax.jit(kernel)(*tuple(_d.values())))

</pallas_src>

<mosaic_0001>
#map = affine_map<(d0, d1) -> (0, 0, 0, 0)>
#map1 = affine_map<(d0, d1) -> (0, 0, 0)>
module attributes {stable_mosaic.version = 14 : i64} {
  func.func @_sc_scatter(%arg0: i32, %arg1: i32, %arg2: memref<4x8x8x12032xf32, #tpu.memory_space<hbm>>, %arg3: memref<4x1x12032xi32, #tpu.memory_space<hbm>>, %arg4: memref<4x1x12032xi32, #tpu.memory_space<hbm>>, %arg5: memref<4x8x8x393216xf32, #tpu.memory_space<hbm>>, %arg6: memref<12288xi32, #tpu.memory_space<vmem>>, %arg7: memref<6016xi32, #tpu.memory_space<vmem>>, %arg8: memref<6016xi32, #tpu.memory_space<vmem>>, %arg9: memref<8x12032xf32, #tpu.memory_space<vmem>>, %arg10: memref<8x512xf32, #tpu.memory_space<vmem>>) attributes {dimension_semantics = [#tpu.dimension_semantics<core_parallel>, #tpu.dimension_semantics<subcore_parallel>], iteration_bounds = array<i64: 2, 16>, scalar_prefetch = 0 : i64, scratch_operands = 5 : i64, tpu.core_type = #tpu.core_type<sc_vector_subcore>, window_params = [{transform_indices = #map}, {transform_indices = #map1}, {transform_indices = #map1}, {transform_indices = #map}]} {
    %mul3A = arith.constant 2 : i32
    %mul3A_0 = arith.muli %arg1, %mul3A : i32
    %add3A = arith.addi %mul3A_0, %arg0 : i32
    %mul3A_1 = arith.constant 12288 : i32
    %mul3A_2 = arith.muli %add3A, %mul3A_1 : i32
    %multiple_of3A = tpu.assume_multiple %mul3A_2, 128 : i32
    %iota3A = tpu.iota {dimensions = array<i32: 0>} : vector<16xi32>
    %broadcast_in_dim3A = arith.constant 12000 : i32
    %broadcast_in_dim3A_3 = vector.broadcast %broadcast_in_dim3A : i32 to vector<16xi32>
    %broadcast_in_dim3A_4 = arith.constant 0 : i32
    %broadcast_in_dim3A_5 = vector.broadcast %broadcast_in_dim3A_4 : i32 to vector<16xi32>
    %broadcast_in_dim3A_6 = arith.constant 1 : i32
    %broadcast_in_dim3A_7 = vector.broadcast %broadcast_in_dim3A_6 : i32 to vector<16xi32>
    %broadcast_in_dim3A_8 = arith.constant 2 : i32
    %broadcast_in_dim3A_9 = vector.broadcast %broadcast_in_dim3A_8 : i32 to vector<16xi32>
    %broadcast_in_dim3A_10 = arith.constant 3 : i32
    %broadcast_in_dim3A_11 = vector.broadcast %broadcast_in_dim3A_10 : i32 to vector<16xi32>
    %broadcast_in_dim3A_12 = arith.constant 4 : i32
    %broadcast_in_dim3A_13 = vector.broadcast %broadcast_in_dim3A_12 : i32 to vector<16xi32>
    %broadcast_in_dim3A_14 = arith.constant 5 : i32
    %broadcast_in_dim3A_15 = vector.broadcast %broadcast_in_dim3A_14 : i32 to vector<16xi32>
    %broadcast_in_dim3A_16 = arith.constant 6 : i32
    %broadcast_in_dim3A_17 = vector.broadcast %broadcast_in_dim3A_16 : i32 to vector<16xi32>
    %broadcast_in_dim3A_18 = arith.constant 7 : i32
    %broadcast_in_dim3A_19 = vector.broadcast %broadcast_in_dim3A_18 : i32 to vector<16xi32>
    %scan3A = arith.constant 0 : i32
    %scan3A_20 = arith.constant 0 : i32
    %scan3A_21 = arith.constant 768 : i32
    %scan3A_22 = arith.addi %scan3A_20, %scan3A_21 : i32
    %scan3A_23 = arith.constant 1 : i32
    scf.for %scan3A_91 = %scan3A_20 to %scan3A_22 step %scan3A_23  : i32 {
      %mul3A_92 = arith.constant 16 : i32
      %mul3A_93 = arith.muli %scan3A_91, %mul3A_92 : i32
      %swap3A = arith.index_cast %mul3A_93 : i32 to index
      %swap3A_94 = tpu.vector_load %arg6[%swap3A] {strides = array<i32>} : memref<12288xi32, #tpu.memory_space<vmem>>, vector<16xi32>,
      tpu.vector_store %arg6[%swap3A], %broadcast_in_dim3A_3 {strides = array<i32>} : memref<12288xi32, #tpu.memory_space<vmem>>, vector<16xi32>,
    }
    %scan3A_24 = arith.constant 768 : i32
    %scan3A_25 = arith.constant 0 : i32
    %scan3A_26 = arith.constant 0 : i32
    %scan3A_27 = arith.constant 2 : i32
    %scan3A_28 = arith.addi %scan3A_26, %scan3A_27 : i32
    %scan3A_29 = arith.constant 1 : i32
    scf.for %scan3A_91 = %scan3A_26 to %scan3A_28 step %scan3A_29  : i32 {
      %mul3A_92 = arith.constant 6016 : i32
      %mul3A_93 = arith.muli %scan3A_91, %mul3A_92 : i32
      %multiple_of3A_94 = tpu.assume_multiple %mul3A_93, 128 : i32
      %run_scoped3A = arith.constant 0 : i32
      %run_scoped3A_95 = arith.constant 0 : i32
      "tpu.region"() ({
        %run_scoped3A_104 = tpu.sem_alloc : memref<!tpu.dma_semaphore, #tpu.memory_space<semaphore_mem>>
        %dma_start3A = tpu.memref_slice %arg3[%run_scoped3A, %run_scoped3A_95, %multiple_of3A_94] : memref<4x1x12032xi32, #tpu.memory_space<hbm>> -> memref<1x1x6016xi32, #tpu.memory_space<hbm>>
        %dma_start3A_105 = tpu.memref_squeeze %dma_start3A : memref<1x1x6016xi32, #tpu.memory_space<hbm>> -> memref<6016xi32, #tpu.memory_space<hbm>>
        %dma_start3A_106 = tpu.memref_slice %arg3[%run_scoped3A, %run_scoped3A_95, %multiple_of3A_94] : memref<4x1x12032xi32, #tpu.memory_space<hbm>> -> memref<1x1x6016xi32, #tpu.memory_space<hbm>>
        %dma_start3A_107 = tpu.memref_squeeze %dma_start3A_106 : memref<1x1x6016xi32, #tpu.memory_space<hbm>> -> memref<6016xi32, #tpu.memory_space<hbm>>
        tpu.enqueue_dma source(%dma_start3A_107 : memref<6016xi32, #tpu.memory_space<hbm>>) target(%arg7 : memref<6016xi32, #tpu.memory_space<vmem>>) target_semaphore(%run_scoped3A_104 : memref<!tpu.dma_semaphore, #tpu.memory_space<semaphore_mem>>)
        %dma_wait3A = tpu.memref_slice %arg3[%run_scoped3A, %run_scoped3A_95, %multiple_of3A_94] : memref<4x1x12032xi32, #tpu.memory_space<hbm>> -> memref<1x1x6016xi32, #tpu.memory_space<hbm>>
        %dma_wait3A_108 = tpu.memref_squeeze %dma_wait3A : memref<1x1x6016xi32, #tpu.memory_space<hbm>> -> memref<6016xi32, #tpu.memory_space<hbm>>
        %dma_wait3A_109 = tpu.memref_slice %arg3[%run_scoped3A, %run_scoped3A_95, %multiple_of3A_94] : memref<4x1x12032xi32, #tpu.memory_space<hbm>> -> memref<1x1x6016xi32, #tpu.memory_space<hbm>>
        %dma_wait3A_110 = tpu.memref_squeeze %dma_wait3A_109 : memref<1x1x6016xi32, #tpu.memory_space<hbm>> -> memref<6016xi32, #tpu.memory_space<hbm>>
        tpu.wait_dma2 semaphore(%run_scoped3A_104 : memref<!tpu.dma_semaphore, #tpu.memory_space<semaphore_mem>>) src(%dma_wait3A_110 : memref<6016xi32, #tpu.memory_space<hbm>>) dst(%arg7 : memref<6016xi32, #tpu.memory_space<vmem>>)
        tpu.yield
      }) : () -> ()
      %run_scoped3A_96 = arith.constant 0 : i32
      %run_scoped3A_97 = arith.constant 0 : i32
      "tpu.region"() ({
        %run_scoped3A_104 = tpu.sem_alloc : memref<!tpu.dma_semaphore, #tpu.memory_space<semaphore_mem>>
        %dma_start3A = tpu.memref_slice %arg4[%run_scoped3A_96, %run_scoped3A_97, %multiple_of3A_94] : memref<4x1x12032xi32, #tpu.memory_space<hbm>> -> memref<1x1x6016xi32, #tpu.memory_space<hbm>>
        %dma_start3A_105 = tpu.memref_squeeze %dma_start3A : memref<1x1x6016xi32, #tpu.memory_space<hbm>> -> memref<6016xi32, #tpu.memory_space<hbm>>
        %dma_start3A_106 = tpu.memref_slice %arg4[%run_scoped3A_96, %run_scoped3A_97, %multiple_of3A_94] : memref<4x1x12032xi32, #tpu.memory_space<hbm>> -> memref<1x1x6016xi32, #tpu.memory_space<hbm>>
        %dma_start3A_107 = tpu.memref_squeeze %dma_start3A_106 : memref<1x1x6016xi32, #tpu.memory_space<hbm>> -> memref<6016xi32, #tpu.memory_space<hbm>>
        tpu.enqueue_dma source(%dma_start3A_107 : memref<6016xi32, #tpu.memory_space<hbm>>) target(%arg8 : memref<6016xi32, #tpu.memory_space<vmem>>) target_semaphore(%run_scoped3A_104 : memref<!tpu.dma_semaphore, #tpu.memory_space<semaphore_mem>>)
        %dma_wait3A = tpu.memref_slice %arg4[%run_scoped3A_96, %run_scoped3A_97, %multiple_of3A_94] : memref<4x1x12032xi32, #tpu.memory_space<hbm>> -> memref<1x1x6016xi32, #tpu.memory_space<hbm>>
        %dma_wait3A_108 = tpu.memref_squeeze %dma_wait3A : memref<1x1x6016xi32, #tpu.memory_space<hbm>> -> memref<6016xi32, #tpu.memory_space<hbm>>
        %dma_wait3A_109 = tpu.memref_slice %arg4[%run_scoped3A_96, %run_scoped3A_97, %multiple_of3A_94] : memref<4x1x12032xi32, #tpu.memory_space<hbm>> -> memref<1x1x6016xi32, #tpu.memory_space<hbm>>
        %dma_wait3A_110 = tpu.memref_squeeze %dma_wait3A_109 : memref<1x1x6016xi32, #tpu.memory_space<hbm>> -> memref<6016xi32, #tpu.memory_space<hbm>>
        tpu.wait_dma2 semaphore(%run_scoped3A_104 : memref<!tpu.dma_semaphore, #tpu.memory_space<semaphore_mem>>) src(%dma_wait3A_110 : memref<6016xi32, #tpu.memory_space<hbm>>) dst(%arg8 : memref<6016xi32, #tpu.memory_space<vmem>>)
        tpu.yield
      }) : () -> ()
      %scan3A_98 = arith.constant 0 : i32
      %scan3A_99 = arith.constant 0 : i32
      %scan3A_100 = arith.constant 376 : i32
      %scan3A_101 = arith.addi %scan3A_99, %scan3A_100 : i32
      %scan3A_102 = arith.constant 1 : i32
      scf.for %scan3A_104 = %scan3A_99 to %scan3A_101 step %scan3A_102  : i32 {
        %mul3A_105 = arith.constant 16 : i32
        %mul3A_106 = arith.muli %scan3A_104, %mul3A_105 : i32
        %get3A = arith.index_cast %mul3A_106 : i32 to index
        %get3A_107 = tpu.vector_load %arg7[%get3A] {strides = array<i32>} : memref<6016xi32, #tpu.memory_space<vmem>>, vector<16xi32>,
        %mul3A_108 = arith.constant 16 : i32
        %mul3A_109 = arith.muli %scan3A_104, %mul3A_108 : i32
        %get3A_110 = arith.index_cast %mul3A_109 : i32 to index
        %get3A_111 = tpu.vector_load %arg8[%get3A_110] {strides = array<i32>} : memref<6016xi32, #tpu.memory_space<vmem>>, vector<16xi32>,
        %mul3A_112 = arith.constant 625 : i32
        %mul3A_113 = vector.broadcast %mul3A_112 : i32 to vector<16xi32>
        %mul3A_114 = arith.muli %get3A_111, %mul3A_113 : vector<16xi32>
        %add3A_115 = arith.addi %mul3A_114, %get3A_107 : vector<16xi32>
        %sub3A = vector.broadcast %multiple_of3A : i32 to vector<16xi32>
        %sub3A_116 = arith.subi %add3A_115, %sub3A : vector<16xi32>
        %mul3A_117 = arith.constant 16 : i32
        %mul3A_118 = arith.muli %scan3A_104, %mul3A_117 : i32
        %add3A_119 = arith.addi %multiple_of3A_94, %mul3A_118 : i32
        %add3A_120 = vector.broadcast %add3A_119 : i32 to vector<16xi32>
        %add3A_121 = arith.addi %iota3A, %add3A_120 : vector<16xi32>
        %ge3A = arith.constant 0 : i32
        %ge3A_122 = vector.broadcast %ge3A : i32 to vector<16xi32>
        %ge3A_123 = arith.cmpi sge, %sub3A_116, %ge3A_122 : vector<16xi32>
        %lt3A = arith.constant 12288 : i32
        %lt3A_124 = vector.broadcast %lt3A : i32 to vector<16xi32>
        %lt3A_125 = arith.cmpi slt, %sub3A_116, %lt3A_124 : vector<16xi32>
        %and3A = arith.andi %ge3A_123, %lt3A_125 : vector<16xi1>
        %lt3A_126 = arith.constant 12000 : i32
        %lt3A_127 = vector.broadcast %lt3A_126 : i32 to vector<16xi32>
        %lt3A_128 = arith.cmpi slt, %add3A_121, %lt3A_127 : vector<16xi32>
        %and3A_129 = arith.andi %and3A, %lt3A_128 : vector<16xi1>
        %jit3A = arith.constant 0 : i32
        %broadcast_in_dim3A_130 = vector.broadcast %jit3A : i32 to vector<16xi32>
        %select_n3A = arith.select %and3A_129, %sub3A_116, %broadcast_in_dim3A_130 : vector<16xi1>, vector<16xi32>
        tpu.vector_store_idx %arg6[%select_n3A], %add3A_121 masked %and3A_129 : memref<12288xi32, #tpu.memory_space<vmem>>[vector<16xi32>], vector<16xi32>, vector<16xi1>
      }
      %scan3A_103 = arith.constant 376 : i32
    }
    %scan3A_30 = arith.constant 2 : i32
    %scan3A_31 = arith.constant 0 : i32
    %scan3A_32 = arith.constant 0 : i32
    %scan3A_33 = arith.constant 8 : i32
    %scan3A_34 = arith.addi %scan3A_32, %scan3A_33 : i32
    %scan3A_35 = arith.constant 1 : i32
    scf.for %scan3A_91 = %scan3A_32 to %scan3A_34 step %scan3A_35  : i32 {
      %run_scoped3A = arith.constant 0 : i32
      "tpu.region"() ({
        %run_scoped3A_98 = tpu.sem_alloc : memref<!tpu.dma_semaphore, #tpu.memory_space<semaphore_mem>>
        %dma_start3A = arith.constant 0 : i32
        %dma_start3A_99 = arith.constant 0 : i32
        %dma_start3A_100 = tpu.memref_slice %arg2[%run_scoped3A, %scan3A_91, %dma_start3A, %dma_start3A_99] : memref<4x8x8x12032xf32, #tpu.memory_space<hbm>> -> memref<1x1x8x12032xf32, #tpu.memory_space<hbm>>
        %dma_start3A_101 = tpu.memref_squeeze %dma_start3A_100 : memref<1x1x8x12032xf32, #tpu.memory_space<hbm>> -> memref<8x12032xf32, #tpu.memory_space<hbm>>
        %dma_start3A_102 = arith.constant 0 : i32
        %dma_start3A_103 = arith.constant 0 : i32
        %dma_start3A_104 = tpu.memref_slice %arg2[%run_scoped3A, %scan3A_91, %dma_start3A_102, %dma_start3A_103] : memref<4x8x8x12032xf32, #tpu.memory_space<hbm>> -> memref<1x1x8x12032xf32, #tpu.memory_space<hbm>>
        %dma_start3A_105 = tpu.memref_squeeze %dma_start3A_104 : memref<1x1x8x12032xf32, #tpu.memory_space<hbm>> -> memref<8x12032xf32, #tpu.memory_space<hbm>>
        tpu.enqueue_dma source(%dma_start3A_105 : memref<8x12032xf32, #tpu.memory_space<hbm>>) target(%arg9 : memref<8x12032xf32, #tpu.memory_space<vmem>>) target_semaphore(%run_scoped3A_98 : memref<!tpu.dma_semaphore, #tpu.memory_space<semaphore_mem>>)
        %dma_wait3A = arith.constant 0 : i32
        %dma_wait3A_106 = arith.constant 0 : i32
        %dma_wait3A_107 = tpu.memref_slice %arg2[%run_scoped3A, %scan3A_91, %dma_wait3A, %dma_wait3A_106] : memref<4x8x8x12032xf32, #tpu.memory_space<hbm>> -> memref<1x1x8x12032xf32, #tpu.memory_space<hbm>>
        %dma_wait3A_108 = tpu.memref_squeeze %dma_wait3A_107 : memref<1x1x8x12032xf32, #tpu.memory_space<hbm>> -> memref<8x12032xf32, #tpu.memory_space<hbm>>
        %dma_wait3A_109 = arith.constant 0 : i32
        %dma_wait3A_110 = arith.constant 0 : i32
        %dma_wait3A_111 = tpu.memref_slice %arg2[%run_scoped3A, %scan3A_91, %dma_wait3A_109, %dma_wait3A_110] : memref<4x8x8x12032xf32, #tpu.memory_space<hbm>> -> memref<1x1x8x12032xf32, #tpu.memory_space<hbm>>
        %dma_wait3A_112 = tpu.memref_squeeze %dma_wait3A_111 : memref<1x1x8x12032xf32, #tpu.memory_space<hbm>> -> memref<8x12032xf32, #tpu.memory_space<hbm>>
        tpu.wait_dma2 semaphore(%run_scoped3A_98 : memref<!tpu.dma_semaphore, #tpu.memory_space<semaphore_mem>>) src(%dma_wait3A_112 : memref<8x12032xf32, #tpu.memory_space<hbm>>) dst(%arg9 : memref<8x12032xf32, #tpu.memory_space<vmem>>)
        tpu.yield
      }) : () -> ()
      %scan3A_92 = arith.constant 0 : i32
      %scan3A_93 = arith.constant 0 : i32
      %scan3A_94 = arith.constant 24 : i32
      %scan3A_95 = arith.addi %scan3A_93, %scan3A_94 : i32
      %scan3A_96 = arith.constant 1 : i32
      scf.for %scan3A_98 = %scan3A_93 to %scan3A_95 step %scan3A_96  : i32 {
        %mul3A_99 = arith.constant 512 : i32
        %mul3A_100 = arith.muli %scan3A_98, %mul3A_99 : i32
        %add3A_101 = arith.addi %multiple_of3A, %mul3A_100 : i32
        %multiple_of3A_102 = tpu.assume_multiple %add3A_101, 128 : i32
        %scan3A_103 = arith.constant 0 : i32
        %scan3A_104 = arith.constant 0 : i32
        %scan3A_105 = arith.constant 32 : i32
        %scan3A_106 = arith.addi %scan3A_104, %scan3A_105 : i32
        %scan3A_107 = arith.constant 1 : i32
        scf.for %scan3A_110 = %scan3A_104 to %scan3A_106 step %scan3A_107  : i32 {
          %mul3A_111 = arith.constant 512 : i32
          %mul3A_112 = arith.muli %scan3A_98, %mul3A_111 : i32
          %mul3A_113 = arith.constant 16 : i32
          %mul3A_114 = arith.muli %scan3A_110, %mul3A_113 : i32
          %add3A_115 = arith.addi %mul3A_112, %mul3A_114 : i32
          %get3A = arith.index_cast %add3A_115 : i32 to index
          %get3A_116 = tpu.vector_load %arg6[%get3A] {strides = array<i32>} : memref<12288xi32, #tpu.memory_space<vmem>>, vector<16xi32>,
          %gather3A = tpu.vector_load_idx %arg9[%broadcast_in_dim3A_5, %get3A_116] : memref<8x12032xf32, #tpu.memory_space<vmem>>[vector<16xi32>, vector<16xi32>], vector<16xf32>,
          %mul3A_117 = arith.constant 16 : i32
          %mul3A_118 = arith.muli %scan3A_110, %mul3A_117 : i32
          %swap3A = arith.constant 0 : i32
          %swap3A_119 = arith.index_cast %swap3A : i32 to index
          %swap3A_120 = arith.index_cast %mul3A_118 : i32 to index
          %swap3A_121 = tpu.vector_load %arg10[%swap3A_119, %swap3A_120] {strides = array<i32>} : memref<8x512xf32, #tpu.memory_space<vmem>>, vector<16xf32>,
          tpu.vector_store %arg10[%swap3A_119, %swap3A_120], %gather3A {strides = array<i32>} : memref<8x512xf32, #tpu.memory_space<vmem>>, vector<16xf32>,
          %gather3A_122 = tpu.vector_load_idx %arg9[%broadcast_in_dim3A_7, %get3A_116] : memref<8x12032xf32, #tpu.memory_space<vmem>>[vector<16xi32>, vector<16xi32>], vector<16xf32>,
          %mul3A_123 = arith.constant 16 : i32
          %mul3A_124 = arith.muli %scan3A_110, %mul3A_123 : i32
          %swap3A_125 = arith.constant 1 : i32
          %swap3A_126 = arith.index_cast %swap3A_125 : i32 to index
          %swap3A_127 = arith.index_cast %mul3A_124 : i32 to index
          %swap3A_128 = tpu.vector_load %arg10[%swap3A_126, %swap3A_127] {strides = array<i32>} : memref<8x512xf32, #tpu.memory_space<vmem>>, vector<16xf32>,
          tpu.vector_store %arg10[%swap3A_126, %swap3A_127], %gather3A_122 {strides = array<i32>} : memref<8x512xf32, #tpu.memory_space<vmem>>, vector<16xf32>,
          %gather3A_129 = tpu.vector_load_idx %arg9[%broadcast_in_dim3A_9, %get3A_116] : memref<8x12032xf32, #tpu.memory_space<vmem>>[vector<16xi32>, vector<16xi32>], vector<16xf32>,
          %mul3A_130 = arith.constant 16 : i32
          %mul3A_131 = arith.muli %scan3A_110, %mul3A_130 : i32
          %swap3A_132 = arith.constant 2 : i32
          %swap3A_133 = arith.index_cast %swap3A_132 : i32 to index
          %swap3A_134 = arith.index_cast %mul3A_131 : i32 to index
          %swap3A_135 = tpu.vector_load %arg10[%swap3A_133, %swap3A_134] {strides = array<i32>} : memref<8x512xf32, #tpu.memory_space<vmem>>, vector<16xf32>,
          tpu.vector_store %arg10[%swap3A_133, %swap3A_134], %gather3A_129 {strides = array<i32>} : memref<8x512xf32, #tpu.memory_space<vmem>>, vector<16xf32>,
          %gather3A_136 = tpu.vector_load_idx %arg9[%broadcast_in_dim3A_11, %get3A_116] : memref<8x12032xf32, #tpu.memory_space<vmem>>[vector<16xi32>, vector<16xi32>], vector<16xf32>,
          %mul3A_137 = arith.constant 16 : i32
          %mul3A_138 = arith.muli %scan3A_110, %mul3A_137 : i32
          %swap3A_139 = arith.constant 3 : i32
          %swap3A_140 = arith.index_cast %swap3A_139 : i32 to index
          %swap3A_141 = arith.index_cast %mul3A_138 : i32 to index
          %swap3A_142 = tpu.vector_load %arg10[%swap3A_140, %swap3A_141] {strides = array<i32>} : memref<8x512xf32, #tpu.memory_space<vmem>>, vector<16xf32>,
          tpu.vector_store %arg10[%swap3A_140, %swap3A_141], %gather3A_136 {strides = array<i32>} : memref<8x512xf32, #tpu.memory_space<vmem>>, vector<16xf32>,
          %gather3A_143 = tpu.vector_load_idx %arg9[%broadcast_in_dim3A_13, %get3A_116] : memref<8x12032xf32, #tpu.memory_space<vmem>>[vector<16xi32>, vector<16xi32>], vector<16xf32>,
          %mul3A_144 = arith.constant 16 : i32
          %mul3A_145 = arith.muli %scan3A_110, %mul3A_144 : i32
          %swap3A_146 = arith.constant 4 : i32
          %swap3A_147 = arith.index_cast %swap3A_146 : i32 to index
          %swap3A_148 = arith.index_cast %mul3A_145 : i32 to index
          %swap3A_149 = tpu.vector_load %arg10[%swap3A_147, %swap3A_148] {strides = array<i32>} : memref<8x512xf32, #tpu.memory_space<vmem>>, vector<16xf32>,
          tpu.vector_store %arg10[%swap3A_147, %swap3A_148], %gather3A_143 {strides = array<i32>} : memref<8x512xf32, #tpu.memory_space<vmem>>, vector<16xf32>,
          %gather3A_150 = tpu.vector_load_idx %arg9[%broadcast_in_dim3A_15, %get3A_116] : memref<8x12032xf32, #tpu.memory_space<vmem>>[vector<16xi32>, vector<16xi32>], vector<16xf32>,
          %mul3A_151 = arith.constant 16 : i32
          %mul3A_152 = arith.muli %scan3A_110, %mul3A_151 : i32
          %swap3A_153 = arith.constant 5 : i32
          %swap3A_154 = arith.index_cast %swap3A_153 : i32 to index
          %swap3A_155 = arith.index_cast %mul3A_152 : i32 to index
          %swap3A_156 = tpu.vector_load %arg10[%swap3A_154, %swap3A_155] {strides = array<i32>} : memref<8x512xf32, #tpu.memory_space<vmem>>, vector<16xf32>,
          tpu.vector_store %arg10[%swap3A_154, %swap3A_155], %gather3A_150 {strides = array<i32>} : memref<8x512xf32, #tpu.memory_space<vmem>>, vector<16xf32>,
          %gather3A_157 = tpu.vector_load_idx %arg9[%broadcast_in_dim3A_17, %get3A_116] : memref<8x12032xf32, #tpu.memory_space<vmem>>[vector<16xi32>, vector<16xi32>], vector<16xf32>,
          %mul3A_158 = arith.constant 16 : i32
          %mul3A_159 = arith.muli %scan3A_110, %mul3A_158 : i32
          %swap3A_160 = arith.constant 6 : i32
          %swap3A_161 = arith.index_cast %swap3A_160 : i32 to index
          %swap3A_162 = arith.index_cast %mul3A_159 : i32 to index
          %swap3A_163 = tpu.vector_load %arg10[%swap3A_161, %swap3A_162] {strides = array<i32>} : memref<8x512xf32, #tpu.memory_space<vmem>>, vector<16xf32>,
          tpu.vector_store %arg10[%swap3A_161, %swap3A_162], %gather3A_157 {strides = array<i32>} : memref<8x512xf32, #tpu.memory_space<vmem>>, vector<16xf32>,
          %gather3A_164 = tpu.vector_load_idx %arg9[%broadcast_in_dim3A_19, %get3A_116] : memref<8x12032xf32, #tpu.memory_space<vmem>>[vector<16xi32>, vector<16xi32>], vector<16xf32>,
          %mul3A_165 = arith.constant 16 : i32
          %mul3A_166 = arith.muli %scan3A_110, %mul3A_165 : i32
          %swap3A_167 = arith.constant 7 : i32
          %swap3A_168 = arith.index_cast %swap3A_167 : i32 to index
          %swap3A_169 = arith.index_cast %mul3A_166 : i32 to index
          %swap3A_170 = tpu.vector_load %arg10[%swap3A_168, %swap3A_169] {strides = array<i32>} : memref<8x512xf32, #tpu.memory_space<vmem>>, vector<16xf32>,
          tpu.vector_store %arg10[%swap3A_168, %swap3A_169], %gather3A_164 {strides = array<i32>} : memref<8x512xf32, #tpu.memory_space<vmem>>, vector<16xf32>,
        }
        %scan3A_108 = arith.constant 32 : i32
        %run_scoped3A_109 = arith.constant 0 : i32
        "tpu.region"() ({
          %run_scoped3A_110 = tpu.sem_alloc : memref<!tpu.dma_semaphore, #tpu.memory_space<semaphore_mem>>
          %dma_start3A = arith.constant 0 : i32
          %dma_start3A_111 = tpu.memref_slice %arg5[%run_scoped3A_109, %scan3A_91, %dma_start3A, %multiple_of3A_102] : memref<4x8x8x393216xf32, #tpu.memory_space<hbm>> -> memref<1x1x8x512xf32, #tpu.memory_space<hbm>>
          %dma_start3A_112 = tpu.memref_squeeze %dma_start3A_111 : memref<1x1x8x512xf32, #tpu.memory_space<hbm>> -> memref<8x512xf32, #tpu.memory_space<hbm>>
          %dma_start3A_113 = arith.constant 0 : i32
          %dma_start3A_114 = tpu.memref_slice %arg5[%run_scoped3A_109, %scan3A_91, %dma_start3A_113, %multiple_of3A_102] : memref<4x8x8x393216xf32, #tpu.memory_space<hbm>> -> memref<1x1x8x512xf32, #tpu.memory_space<hbm>>
          %dma_start3A_115 = tpu.memref_squeeze %dma_start3A_114 : memref<1x1x8x512xf32, #tpu.memory_space<hbm>> -> memref<8x512xf32, #tpu.memory_space<hbm>>
          tpu.enqueue_dma source(%arg10 : memref<8x512xf32, #tpu.memory_space<vmem>>) target(%dma_start3A_115 : memref<8x512xf32, #tpu.memory_space<hbm>>) target_semaphore(%run_scoped3A_110 : memref<!tpu.dma_semaphore, #tpu.memory_space<semaphore_mem>>)
          %dma_wait3A = arith.constant 0 : i32
          %dma_wait3A_116 = tpu.memref_slice %arg5[%run_scoped3A_109, %scan3A_91, %dma_wait3A, %multiple_of3A_102] : memref<4x8x8x393216xf32, #tpu.memory_space<hbm>> -> memref<1x1x8x512xf32, #tpu.memory_space<hbm>>
          %dma_wait3A_117 = tpu.memref_squeeze %dma_wait3A_116 : memref<1x1x8x512xf32, #tpu.memory_space<hbm>> -> memref<8x512xf32, #tpu.memory_space<hbm>>
          %dma_wait3A_118 = arith.constant 0 : i32
          %dma_wait3A_119 = tpu.memref_slice %arg5[%run_scoped3A_109, %scan3A_91, %dma_wait3A_118, %multiple_of3A_102] : memref<4x8x8x393216xf32, #tpu.memory_space<hbm>> -> memref<1x1x8x512xf32, #tpu.memory_space<hbm>>
          %dma_wait3A_120 = tpu.memref_squeeze %dma_wait3A_119 : memref<1x1x8x512xf32, #tpu.memory_space<hbm>> -> memref<8x512xf32, #tpu.memory_space<hbm>>
          tpu.wait_dma2 semaphore(%run_scoped3A_110 : memref<!tpu.dma_semaphore, #tpu.memory_space<semaphore_mem>>) src(%arg10 : memref<8x512xf32, #tpu.memory_space<vmem>>) dst(%dma_wait3A_120 : memref<8x512xf32, #tpu.memory_space<hbm>>)
          tpu.yield
        }) : () -> ()
      }
      %scan3A_97 = arith.constant 24 : i32
    }
    %scan3A_36 = arith.constant 8 : i32
    %scan3A_37 = arith.constant 0 : i32
    %scan3A_38 = arith.constant 0 : i32
    %scan3A_39 = arith.constant 768 : i32
    %scan3A_40 = arith.addi %scan3A_38, %scan3A_39 : i32
    %scan3A_41 = arith.constant 1 : i32
    scf.for %scan3A_91 = %scan3A_38 to %scan3A_40 step %scan3A_41  : i32 {
      %mul3A_92 = arith.constant 16 : i32
      %mul3A_93 = arith.muli %scan3A_91, %mul3A_92 : i32
      %swap3A = arith.index_cast %mul3A_93 : i32 to index
      %swap3A_94 = tpu.vector_load %arg6[%swap3A] {strides = array<i32>} : memref<12288xi32, #tpu.memory_space<vmem>>, vector<16xi32>,
      tpu.vector_store %arg6[%swap3A], %broadcast_in_dim3A_3 {strides = array<i32>} : memref<12288xi32, #tpu.memory_space<vmem>>, vector<16xi32>,
    }
    %scan3A_42 = arith.constant 768 : i32
    %scan3A_43 = arith.constant 0 : i32
    %scan3A_44 = arith.constant 0 : i32
    %scan3A_45 = arith.constant 2 : i32
    %scan3A_46 = arith.addi %scan3A_44, %scan3A_45 : i32
    %scan3A_47 = arith.constant 1 : i32
    scf.for %scan3A_91 = %scan3A_44 to %scan3A_46 step %scan3A_47  : i32 {
      %mul3A_92 = arith.constant 6016 : i32
      %mul3A_93 = arith.muli %scan3A_91, %mul3A_92 : i32
      %multiple_of3A_94 = tpu.assume_multiple %mul3A_93, 128 : i32
      %run_scoped3A = arith.constant 1 : i32
      %run_scoped3A_95 = arith.constant 0 : i32
      "tpu.region"() ({
        %run_scoped3A_104 = tpu.sem_alloc : memref<!tpu.dma_semaphore, #tpu.memory_space<semaphore_mem>>
        %dma_start3A = tpu.memref_slice %arg3[%run_scoped3A, %run_scoped3A_95, %multiple_of3A_94] : memref<4x1x12032xi32, #tpu.memory_space<hbm>> -> memref<1x1x6016xi32, #tpu.memory_space<hbm>>
        %dma_start3A_105 = tpu.memref_squeeze %dma_start3A : memref<1x1x6016xi32, #tpu.memory_space<hbm>> -> memref<6016xi32, #tpu.memory_space<hbm>>
        %dma_start3A_106 = tpu.memref_slice %arg3[%run_scoped3A, %run_scoped3A_95, %multiple_of3A_94] : memref<4x1x12032xi32, #tpu.memory_space<hbm>> -> memref<1x1x6016xi32, #tpu.memory_space<hbm>>
        %dma_start3A_107 = tpu.memref_squeeze %dma_start3A_106 : memref<1x1x6016xi32, #tpu.memory_space<hbm>> -> memref<6016xi32, #tpu.memory_space<hbm>>
        tpu.enqueue_dma source(%dma_start3A_107 : memref<6016xi32, #tpu.memory_space<hbm>>) target(%arg7 : memref<6016xi32, #tpu.memory_space<vmem>>) target_semaphore(%run_scoped3A_104 : memref<!tpu.dma_semaphore, #tpu.memory_space<semaphore_mem>>)
        %dma_wait3A = tpu.memref_slice %arg3[%run_scoped3A, %run_scoped3A_95, %multiple_of3A_94] : memref<4x1x12032xi32, #tpu.memory_space<hbm>> -> memref<1x1x6016xi32, #tpu.memory_space<hbm>>
        %dma_wait3A_108 = tpu.memref_squeeze %dma_wait3A : memref<1x1x6016xi32, #tpu.memory_space<hbm>> -> memref<6016xi32, #tpu.memory_space<hbm>>
        %dma_wait3A_109 = tpu.memref_slice %arg3[%run_scoped3A, %run_scoped3A_95, %multiple_of3A_94] : memref<4x1x12032xi32, #tpu.memory_space<hbm>> -> memref<1x1x6016xi32, #tpu.memory_space<hbm>>
        %dma_wait3A_110 = tpu.memref_squeeze %dma_wait3A_109 : memref<1x1x6016xi32, #tpu.memory_space<hbm>> -> memref<6016xi32, #tpu.memory_space<hbm>>
        tpu.wait_dma2 semaphore(%run_scoped3A_104 : memref<!tpu.dma_semaphore, #tpu.memory_space<semaphore_mem>>) src(%dma_wait3A_110 : memref<6016xi32, #tpu.memory_space<hbm>>) dst(%arg7 : memref<6016xi32, #tpu.memory_space<vmem>>)
        tpu.yield
      }) : () -> ()
      %run_scoped3A_96 = arith.constant 1 : i32
      %run_scoped3A_97 = arith.constant 0 : i32
      "tpu.region"() ({
        %run_scoped3A_104 = tpu.sem_alloc : memref<!tpu.dma_semaphore, #tpu.memory_space<semaphore_mem>>
        %dma_start3A = tpu.memref_slice %arg4[%run_scoped3A_96, %run_scoped3A_97, %multiple_of3A_94] : memref<4x1x12032xi32, #tpu.memory_space<hbm>> -> memref<1x1x6016xi32, #tpu.memory_space<hbm>>
        %dma_start3A_105 = tpu.memref_squeeze %dma_start3A : memref<1x1x6016xi32, #tpu.memory_space<hbm>> -> memref<6016xi32, #tpu.memory_space<hbm>>
        %dma_start3A_106 = tpu.memref_slice %arg4[%run_scoped3A_96, %run_scoped3A_97, %multiple_of3A_94] : memref<4x1x12032xi32, #tpu.memory_space<hbm>> -> memref<1x1x6016xi32, #tpu.memory_space<hbm>>
        %dma_start3A_107 = tpu.memref_squeeze %dma_start3A_106 : memref<1x1x6016xi32, #tpu.memory_space<hbm>> -> memref<6016xi32, #tpu.memory_space<hbm>>
        tpu.enqueue_dma source(%dma_start3A_107 : memref<6016xi32, #tpu.memory_space<hbm>>) target(%arg8 : memref<6016xi32, #tpu.memory_space<vmem>>) target_semaphore(%run_scoped3A_104 : memref<!tpu.dma_semaphore, #tpu.memory_space<semaphore_mem>>)
        %dma_wait3A = tpu.memref_slice %arg4[%run_scoped3A_96, %run_scoped3A_97, %multiple_of3A_94] : memref<4x1x12032xi32, #tpu.memory_space<hbm>> -> memref<1x1x6016xi32, #tpu.memory_space<hbm>>
        %dma_wait3A_108 = tpu.memref_squeeze %dma_wait3A : memref<1x1x6016xi32, #tpu.memory_space<hbm>> -> memref<6016xi32, #tpu.memory_space<hbm>>
        %dma_wait3A_109 = tpu.memref_slice %arg4[%run_scoped3A_96, %run_scoped3A_97, %multiple_of3A_94] : memref<4x1x12032xi32, #tpu.memory_space<hbm>> -> memref<1x1x6016xi32, #tpu.memory_space<hbm>>
        %dma_wait3A_110 = tpu.memref_squeeze %dma_wait3A_109 : memref<1x1x6016xi32, #tpu.memory_space<hbm>> -> memref<6016xi32, #tpu.memory_space<hbm>>
        tpu.wait_dma2 semaphore(%run_scoped3A_104 : memref<!tpu.dma_semaphore, #tpu.memory_space<semaphore_mem>>) src(%dma_wait3A_110 : memref<6016xi32, #tpu.memory_space<hbm>>) dst(%arg8 : memref<6016xi32, #tpu.memory_space<vmem>>)
        tpu.yield
      }) : () -> ()
      %scan3A_98 = arith.constant 0 : i32
      %scan3A_99 = arith.constant 0 : i32
      %scan3A_100 = arith.constant 376 : i32
      %scan3A_101 = arith.addi %scan3A_99, %scan3A_100 : i32
      %scan3A_102 = arith.constant 1 : i32
      scf.for %scan3A_104 = %scan3A_99 to %scan3A_101 step %scan3A_102  : i32 {
        %mul3A_105 = arith.constant 16 : i32
        %mul3A_106 = arith.muli %scan3A_104, %mul3A_105 : i32
        %get3A = arith.index_cast %mul3A_106 : i32 to index
        %get3A_107 = tpu.vector_load %arg7[%get3A] {strides = array<i32>} : memref<6016xi32, #tpu.memory_space<vmem>>, vector<16xi32>,
        %mul3A_108 = arith.constant 16 : i32
        %mul3A_109 = arith.muli %scan3A_104, %mul3A_108 : i32
        %get3A_110 = arith.index_cast %mul3A_109 : i32 to index
        %get3A_111 = tpu.vector_load %arg8[%get3A_110] {strides = array<i32>} : memref<6016xi32, #tpu.memory_space<vmem>>, vector<16xi32>,
        %mul3A_112 = arith.constant 625 : i32
        %mul3A_113 = vector.broadcast %mul3A_112 : i32 to vector<16xi32>
        %mul3A_114 = arith.muli %get3A_111, %mul3A_113 : vector<16xi32>
        %add3A_115 = arith.addi %mul3A_114, %get3A_107 : vector<16xi32>
        %sub3A = vector.broadcast %multiple_of3A : i32 to vector<16xi32>
        %sub3A_116 = arith.subi %add3A_115, %sub3A : vector<16xi32>
        %mul3A_117 = arith.constant 16 : i32
        %mul3A_118 = arith.muli %scan3A_104, %mul3A_117 : i32
        %add3A_119 = arith.addi %multiple_of3A_94, %mul3A_118 : i32
        %add3A_120 = vector.broadcast %add3A_119 : i32 to vector<16xi32>
        %add3A_121 = arith.addi %iota3A, %add3A_120 : vector<16xi32>
        %ge3A = arith.constant 0 : i32
        %ge3A_122 = vector.broadcast %ge3A : i32 to vector<16xi32>
        %ge3A_123 = arith.cmpi sge, %sub3A_116, %ge3A_122 : vector<16xi32>
        %lt3A = arith.constant 12288 : i32
        %lt3A_124 = vector.broadcast %lt3A : i32 to vector<16xi32>
        %lt3A_125 = arith.cmpi slt, %sub3A_116, %lt3A_124 : vector<16xi32>
        %and3A = arith.andi %ge3A_123, %lt3A_125 : vector<16xi1>
        %lt3A_126 = arith.constant 12000 : i32
        %lt3A_127 = vector.broadcast %lt3A_126 : i32 to vector<16xi32>
        %lt3A_128 = arith.cmpi slt, %add3A_121, %lt3A_127 : vector<16xi32>
        %and3A_129 = arith.andi %and3A, %lt3A_128 : vector<16xi1>
        %jit3A = arith.constant 0 : i32
        %broadcast_in_dim3A_130 = vector.broadcast %jit3A : i32 to vector<16xi32>
        %select_n3A = arith.select %and3A_129, %sub3A_116, %broadcast_in_dim3A_130 : vector<16xi1>, vector<16xi32>
        tpu.vector_store_idx %arg6[%select_n3A], %add3A_121 masked %and3A_129 : memref<12288xi32, #tpu.memory_space<vmem>>[vector<16xi32>], vector<16xi32>, vector<16xi1>
      }
      %scan3A_103 = arith.constant 376 : i32
    }
    %scan3A_48 = arith.constant 2 : i32
    %scan3A_49 = arith.constant 0 : i32
    %scan3A_50 = arith.constant 0 : i32
    %scan3A_51 = arith.constant 8 : i32
    %scan3A_52 = arith.addi %scan3A_50, %scan3A_51 : i32
    %scan3A_53 = arith.constant 1 : i32
    scf.for %scan3A_91 = %scan3A_50 to %scan3A_52 step %scan3A_53  : i32 {
      %run_scoped3A = arith.constant 1 : i32
      "tpu.region"() ({
        %run_scoped3A_98 = tpu.sem_alloc : memref<!tpu.dma_semaphore, #tpu.memory_space<semaphore_mem>>
        %dma_start3A = arith.constant 0 : i32
        %dma_start3A_99 = arith.constant 0 : i32
        %dma_start3A_100 = tpu.memref_slice %arg2[%run_scoped3A, %scan3A_91, %dma_start3A, %dma_start3A_99] : memref<4x8x8x12032xf32, #tpu.memory_space<hbm>> -> memref<1x1x8x12032xf32, #tpu.memory_space<hbm>>
        %dma_start3A_101 = tpu.memref_squeeze %dma_start3A_100 : memref<1x1x8x12032xf32, #tpu.memory_space<hbm>> -> memref<8x12032xf32, #tpu.memory_space<hbm>>
        %dma_start3A_102 = arith.constant 0 : i32
        %dma_start3A_103 = arith.constant 0 : i32
        %dma_start3A_104 = tpu.memref_slice %arg2[%run_scoped3A, %scan3A_91, %dma_start3A_102, %dma_start3A_103] : memref<4x8x8x12032xf32, #tpu.memory_space<hbm>> -> memref<1x1x8x12032xf32, #tpu.memory_space<hbm>>
        %dma_start3A_105 = tpu.memref_squeeze %dma_start3A_104 : memref<1x1x8x12032xf32, #tpu.memory_space<hbm>> -> memref<8x12032xf32, #tpu.memory_space<hbm>>
        tpu.enqueue_dma source(%dma_start3A_105 : memref<8x12032xf32, #tpu.memory_space<hbm>>) target(%arg9 : memref<8x12032xf32, #tpu.memory_space<vmem>>) target_semaphore(%run_scoped3A_98 : memref<!tpu.dma_semaphore, #tpu.memory_space<semaphore_mem>>)
        %dma_wait3A = arith.constant 0 : i32
        %dma_wait3A_106 = arith.constant 0 : i32
        %dma_wait3A_107 = tpu.memref_slice %arg2[%run_scoped3A, %scan3A_91, %dma_wait3A, %dma_wait3A_106] : memref<4x8x8x12032xf32, #tpu.memory_space<hbm>> -> memref<1x1x8x12032xf32, #tpu.memory_space<hbm>>
        %dma_wait3A_108 = tpu.memref_squeeze %dma_wait3A_107 : memref<1x1x8x12032xf32, #tpu.memory_space<hbm>> -> memref<8x12032xf32, #tpu.memory_space<hbm>>
        %dma_wait3A_109 = arith.constant 0 : i32
        %dma_wait3A_110 = arith.constant 0 : i32
        %dma_wait3A_111 = tpu.memref_slice %arg2[%run_scoped3A, %scan3A_91, %dma_wait3A_109, %dma_wait3A_110] : memref<4x8x8x12032xf32, #tpu.memory_space<hbm>> -> memref<1x1x8x12032xf32, #tpu.memory_space<hbm>>
        %dma_wait3A_112 = tpu.memref_squeeze %dma_wait3A_111 : memref<1x1x8x12032xf32, #tpu.memory_space<hbm>> -> memref<8x12032xf32, #tpu.memory_space<hbm>>
        tpu.wait_dma2 semaphore(%run_scoped3A_98 : memref<!tpu.dma_semaphore, #tpu.memory_space<semaphore_mem>>) src(%dma_wait3A_112 : memref<8x12032xf32, #tpu.memory_space<hbm>>) dst(%arg9 : memref<8x12032xf32, #tpu.memory_space<vmem>>)
        tpu.yield
      }) : () -> ()
      %scan3A_92 = arith.constant 0 : i32
      %scan3A_93 = arith.constant 0 : i32
      %scan3A_94 = arith.constant 24 : i32
      %scan3A_95 = arith.addi %scan3A_93, %scan3A_94 : i32
      %scan3A_96 = arith.constant 1 : i32
      scf.for %scan3A_98 = %scan3A_93 to %scan3A_95 step %scan3A_96  : i32 {
        %mul3A_99 = arith.constant 512 : i32
        %mul3A_100 = arith.muli %scan3A_98, %mul3A_99 : i32
        %add3A_101 = arith.addi %multiple_of3A, %mul3A_100 : i32
        %multiple_of3A_102 = tpu.assume_multiple %add3A_101, 128 : i32
        %scan3A_103 = arith.constant 0 : i32
        %scan3A_104 = arith.constant 0 : i32
        %scan3A_105 = arith.constant 32 : i32
        %scan3A_106 = arith.addi %scan3A_104, %scan3A_105 : i32
        %scan3A_107 = arith.constant 1 : i32
        scf.for %scan3A_110 = %scan3A_104 to %scan3A_106 step %scan3A_107  : i32 {
          %mul3A_111 = arith.constant 512 : i32
          %mul3A_112 = arith.muli %scan3A_98, %mul3A_111 : i32
          %mul3A_113 = arith.constant 16 : i32
          %mul3A_114 = arith.muli %scan3A_110, %mul3A_113 : i32
          %add3A_115 = arith.addi %mul3A_112, %mul3A_114 : i32
          %get3A = arith.index_cast %add3A_115 : i32 to index
          %get3A_116 = tpu.vector_load %arg6[%get3A] {strides = array<i32>} : memref<12288xi32, #tpu.memory_space<vmem>>, vector<16xi32>,
          %gather3A = tpu.vector_load_idx %arg9[%broadcast_in_dim3A_5, %get3A_116] : memref<8x12032xf32, #tpu.memory_space<vmem>>[vector<16xi32>, vector<16xi32>], vector<16xf32>,
          %mul3A_117 = arith.constant 16 : i32
          %mul3A_118 = arith.muli %scan3A_110, %mul3A_117 : i32
          %swap3A = arith.constant 0 : i32
          %swap3A_119 = arith.index_cast %swap3A : i32 to index
          %swap3A_120 = arith.index_cast %mul3A_118 : i32 to index
          %swap3A_121 = tpu.vector_load %arg10[%swap3A_119, %swap3A_120] {strides = array<i32>} : memref<8x512xf32, #tpu.memory_space<vmem>>, vector<16xf32>,
          tpu.vector_store %arg10[%swap3A_119, %swap3A_120], %gather3A {strides = array<i32>} : memref<8x512xf32, #tpu.memory_space<vmem>>, vector<16xf32>,
          %gather3A_122 = tpu.vector_load_idx %arg9[%broadcast_in_dim3A_7, %get3A_116] : memref<8x12032xf32, #tpu.memory_space<vmem>>[vector<16xi32>, vector<16xi32>], vector<16xf32>,
          %mul3A_123 = arith.constant 16 : i32
          %mul3A_124 = arith.muli %scan3A_110, %mul3A_123 : i32
          %swap3A_125 = arith.constant 1 : i32
          %swap3A_126 = arith.index_cast %swap3A_125 : i32 to index
          %swap3A_127 = arith.index_cast %mul3A_124 : i32 to index
          %swap3A_128 = tpu.vector_load %arg10[%swap3A_126, %swap3A_127] {strides = array<i32>} : memref<8x512xf32, #tpu.memory_space<vmem>>, vector<16xf32>,
          tpu.vector_store %arg10[%swap3A_126, %swap3A_127], %gather3A_122 {strides = array<i32>} : memref<8x512xf32, #tpu.memory_space<vmem>>, vector<16xf32>,
          %gather3A_129 = tpu.vector_load_idx %arg9[%broadcast_in_dim3A_9, %get3A_116] : memref<8x12032xf32, #tpu.memory_space<vmem>>[vector<16xi32>, vector<16xi32>], vector<16xf32>,
          %mul3A_130 = arith.constant 16 : i32
          %mul3A_131 = arith.muli %scan3A_110, %mul3A_130 : i32
          %swap3A_132 = arith.constant 2 : i32
          %swap3A_133 = arith.index_cast %swap3A_132 : i32 to index
          %swap3A_134 = arith.index_cast %mul3A_131 : i32 to index
          %swap3A_135 = tpu.vector_load %arg10[%swap3A_133, %swap3A_134] {strides = array<i32>} : memref<8x512xf32, #tpu.memory_space<vmem>>, vector<16xf32>,
          tpu.vector_store %arg10[%swap3A_133, %swap3A_134], %gather3A_129 {strides = array<i32>} : memref<8x512xf32, #tpu.memory_space<vmem>>, vector<16xf32>,
          %gather3A_136 = tpu.vector_load_idx %arg9[%broadcast_in_dim3A_11, %get3A_116] : memref<8x12032xf32, #tpu.memory_space<vmem>>[vector<16xi32>, vector<16xi32>], vector<16xf32>,
          %mul3A_137 = arith.constant 16 : i32
          %mul3A_138 = arith.muli %scan3A_110, %mul3A_137 : i32
          %swap3A_139 = arith.constant 3 : i32
          %swap3A_140 = arith.index_cast %swap3A_139 : i32 to index
          %swap3A_141 = arith.index_cast %mul3A_138 : i32 to index
          %swap3A_142 = tpu.vector_load %arg10[%swap3A_140, %swap3A_141] {strides = array<i32>} : memref<8x512xf32, #tpu.memory_space<vmem>>, vector<16xf32>,
          tpu.vector_store %arg10[%swap3A_140, %swap3A_141], %gather3A_136 {strides = array<i32>} : memref<8x512xf32, #tpu.memory_space<vmem>>, vector<16xf32>,
          %gather3A_143 = tpu.vector_load_idx %arg9[%broadcast_in_dim3A_13, %get3A_116] : memref<8x12032xf32, #tpu.memory_space<vmem>>[vector<16xi32>, vector<16xi32>], vector<16xf32>,
          %mul3A_144 = arith.constant 16 : i32
          %mul3A_145 = arith.muli %scan3A_110, %mul3A_144 : i32
          %swap3A_146 = arith.constant 4 : i32
          %swap3A_147 = arith.index_cast %swap3A_146 : i32 to index
          %swap3A_148 = arith.index_cast %mul3A_145 : i32 to index
          %swap3A_149 = tpu.vector_load %arg10[%swap3A_147, %swap3A_148] {strides = array<i32>} : memref<8x512xf32, #tpu.memory_space<vmem>>, vector<16xf32>,
          tpu.vector_store %arg10[%swap3A_147, %swap3A_148], %gather3A_143 {strides = array<i32>} : memref<8x512xf32, #tpu.memory_space<vmem>>, vector<16xf32>,
          %gather3A_150 = tpu.vector_load_idx %arg9[%broadcast_in_dim3A_15, %get3A_116] : memref<8x12032xf32, #tpu.memory_space<vmem>>[vector<16xi32>, vector<16xi32>], vector<16xf32>,
          %mul3A_151 = arith.constant 16 : i32
          %mul3A_152 = arith.muli %scan3A_110, %mul3A_151 : i32
          %swap3A_153 = arith.constant 5 : i32
          %swap3A_154 = arith.index_cast %swap3A_153 : i32 to index
          %swap3A_155 = arith.index_cast %mul3A_152 : i32 to index
          %swap3A_156 = tpu.vector_load %arg10[%swap3A_154, %swap3A_155] {strides = array<i32>} : memref<8x512xf32, #tpu.memory_space<vmem>>, vector<16xf32>,
          tpu.vector_store %arg10[%swap3A_154, %swap3A_155], %gather3A_150 {strides = array<i32>} : memref<8x512xf32, #tpu.memory_space<vmem>>, vector<16xf32>,
          %gather3A_157 = tpu.vector_load_idx %arg9[%broadcast_in_dim3A_17, %get3A_116] : memref<8x12032xf32, #tpu.memory_space<vmem>>[vector<16xi32>, vector<16xi32>], vector<16xf32>,
          %mul3A_158 = arith.constant 16 : i32
          %mul3A_159 = arith.muli %scan3A_110, %mul3A_158 : i32
          %swap3A_160 = arith.constant 6 : i32
          %swap3A_161 = arith.index_cast %swap3A_160 : i32 to index
          %swap3A_162 = arith.index_cast %mul3A_159 : i32 to index
          %swap3A_163 = tpu.vector_load %arg10[%swap3A_161, %swap3A_162] {strides = array<i32>} : memref<8x512xf32, #tpu.memory_space<vmem>>, vector<16xf32>,
          tpu.vector_store %arg10[%swap3A_161, %swap3A_162], %gather3A_157 {strides = array<i32>} : memref<8x512xf32, #tpu.memory_space<vmem>>, vector<16xf32>,
          %gather3A_164 = tpu.vector_load_idx %arg9[%broadcast_in_dim3A_19, %get3A_116] : memref<8x12032xf32, #tpu.memory_space<vmem>>[vector<16xi32>, vector<16xi32>], vector<16xf32>,
          %mul3A_165 = arith.constant 16 : i32
          %mul3A_166 = arith.muli %scan3A_110, %mul3A_165 : i32
          %swap3A_167 = arith.constant 7 : i32
          %swap3A_168 = arith.index_cast %swap3A_167 : i32 to index
          %swap3A_169 = arith.index_cast %mul3A_166 : i32 to index
          %swap3A_170 = tpu.vector_load %arg10[%swap3A_168, %swap3A_169] {strides = array<i32>} : memref<8x512xf32, #tpu.memory_space<vmem>>, vector<16xf32>,
          tpu.vector_store %arg10[%swap3A_168, %swap3A_169], %gather3A_164 {strides = array<i32>} : memref<8x512xf32, #tpu.memory_space<vmem>>, vector<16xf32>,
        }
        %scan3A_108 = arith.constant 32 : i32
        %run_scoped3A_109 = arith.constant 1 : i32
        "tpu.region"() ({
          %run_scoped3A_110 = tpu.sem_alloc : memref<!tpu.dma_semaphore, #tpu.memory_space<semaphore_mem>>
          %dma_start3A = arith.constant 0 : i32
          %dma_start3A_111 = tpu.memref_slice %arg5[%run_scoped3A_109, %scan3A_91, %dma_start3A, %multiple_of3A_102] : memref<4x8x8x393216xf32, #tpu.memory_space<hbm>> -> memref<1x1x8x512xf32, #tpu.memory_space<hbm>>
          %dma_start3A_112 = tpu.memref_squeeze %dma_start3A_111 : memref<1x1x8x512xf32, #tpu.memory_space<hbm>> -> memref<8x512xf32, #tpu.memory_space<hbm>>
          %dma_start3A_113 = arith.constant 0 : i32
          %dma_start3A_114 = tpu.memref_slice %arg5[%run_scoped3A_109, %scan3A_91, %dma_start3A_113, %multiple_of3A_102] : memref<4x8x8x393216xf32, #tpu.memory_space<hbm>> -> memref<1x1x8x512xf32, #tpu.memory_space<hbm>>
          %dma_start3A_115 = tpu.memref_squeeze %dma_start3A_114 : memref<1x1x8x512xf32, #tpu.memory_space<hbm>> -> memref<8x512xf32, #tpu.memory_space<hbm>>
          tpu.enqueue_dma source(%arg10 : memref<8x512xf32, #tpu.memory_space<vmem>>) target(%dma_start3A_115 : memref<8x512xf32, #tpu.memory_space<hbm>>) target_semaphore(%run_scoped3A_110 : memref<!tpu.dma_semaphore, #tpu.memory_space<semaphore_mem>>)
          %dma_wait3A = arith.constant 0 : i32
          %dma_wait3A_116 = tpu.memref_slice %arg5[%run_scoped3A_109, %scan3A_91, %dma_wait3A, %multiple_of3A_102] : memref<4x8x8x393216xf32, #tpu.memory_space<hbm>> -> memref<1x1x8x512xf32, #tpu.memory_space<hbm>>
          %dma_wait3A_117 = tpu.memref_squeeze %dma_wait3A_116 : memref<1x1x8x512xf32, #tpu.memory_space<hbm>> -> memref<8x512xf32, #tpu.memory_space<hbm>>
          %dma_wait3A_118 = arith.constant 0 : i32
          %dma_wait3A_119 = tpu.memref_slice %arg5[%run_scoped3A_109, %scan3A_91, %dma_wait3A_118, %multiple_of3A_102] : memref<4x8x8x393216xf32, #tpu.memory_space<hbm>> -> memref<1x1x8x512xf32, #tpu.memory_space<hbm>>
          %dma_wait3A_120 = tpu.memref_squeeze %dma_wait3A_119 : memref<1x1x8x512xf32, #tpu.memory_space<hbm>> -> memref<8x512xf32, #tpu.memory_space<hbm>>
          tpu.wait_dma2 semaphore(%run_scoped3A_110 : memref<!tpu.dma_semaphore, #tpu.memory_space<semaphore_mem>>) src(%arg10 : memref<8x512xf32, #tpu.memory_space<vmem>>) dst(%dma_wait3A_120 : memref<8x512xf32, #tpu.memory_space<hbm>>)
          tpu.yield
        }) : () -> ()
      }
      %scan3A_97 = arith.constant 24 : i32
    }
    %scan3A_54 = arith.constant 8 : i32
    %scan3A_55 = arith.constant 0 : i32
    %scan3A_56 = arith.constant 0 : i32
    %scan3A_57 = arith.constant 768 : i32
    %scan3A_58 = arith.addi %scan3A_56, %scan3A_57 : i32
    %scan3A_59 = arith.constant 1 : i32
    scf.for %scan3A_91 = %scan3A_56 to %scan3A_58 step %scan3A_59  : i32 {
      %mul3A_92 = arith.constant 16 : i32
      %mul3A_93 = arith.muli %scan3A_91, %mul3A_92 : i32
      %swap3A = arith.index_cast %mul3A_93 : i32 to index
      %swap3A_94 = tpu.vector_load %arg6[%swap3A] {strides = array<i32>} : memref<12288xi32, #tpu.memory_space<vmem>>, vector<16xi32>,
      tpu.vector_store %arg6[%swap3A], %broadcast_in_dim3A_3 {strides = array<i32>} : memref<12288xi32, #tpu.memory_space<vmem>>, vector<16xi32>,
    }
    %scan3A_60 = arith.constant 768 : i32
    %scan3A_61 = arith.constant 0 : i32
    %scan3A_62 = arith.constant 0 : i32
    %scan3A_63 = arith.constant 2 : i32
    %scan3A_64 = arith.addi %scan3A_62, %scan3A_63 : i32
    %scan3A_65 = arith.constant 1 : i32
    scf.for %scan3A_91 = %scan3A_62 to %scan3A_64 step %scan3A_65  : i32 {
      %mul3A_92 = arith.constant 6016 : i32
      %mul3A_93 = arith.muli %scan3A_91, %mul3A_92 : i32
      %multiple_of3A_94 = tpu.assume_multiple %mul3A_93, 128 : i32
      %run_scoped3A = arith.constant 2 : i32
      %run_scoped3A_95 = arith.constant 0 : i32
      "tpu.region"() ({
        %run_scoped3A_104 = tpu.sem_alloc : memref<!tpu.dma_semaphore, #tpu.memory_space<semaphore_mem>>
        %dma_start3A = tpu.memref_slice %arg3[%run_scoped3A, %run_scoped3A_95, %multiple_of3A_94] : memref<4x1x12032xi32, #tpu.memory_space<hbm>> -> memref<1x1x6016xi32, #tpu.memory_space<hbm>>
        %dma_start3A_105 = tpu.memref_squeeze %dma_start3A : memref<1x1x6016xi32, #tpu.memory_space<hbm>> -> memref<6016xi32, #tpu.memory_space<hbm>>
        %dma_start3A_106 = tpu.memref_slice %arg3[%run_scoped3A, %run_scoped3A_95, %multiple_of3A_94] : memref<4x1x12032xi32, #tpu.memory_space<hbm>> -> memref<1x1x6016xi32, #tpu.memory_space<hbm>>
        %dma_start3A_107 = tpu.memref_squeeze %dma_start3A_106 : memref<1x1x6016xi32, #tpu.memory_space<hbm>> -> memref<6016xi32, #tpu.memory_space<hbm>>
        tpu.enqueue_dma source(%dma_start3A_107 : memref<6016xi32, #tpu.memory_space<hbm>>) target(%arg7 : memref<6016xi32, #tpu.memory_space<vmem>>) target_semaphore(%run_scoped3A_104 : memref<!tpu.dma_semaphore, #tpu.memory_space<semaphore_mem>>)
        %dma_wait3A = tpu.memref_slice %arg3[%run_scoped3A, %run_scoped3A_95, %multiple_of3A_94] : memref<4x1x12032xi32, #tpu.memory_space<hbm>> -> memref<1x1x6016xi32, #tpu.memory_space<hbm>>
        %dma_wait3A_108 = tpu.memref_squeeze %dma_wait3A : memref<1x1x6016xi32, #tpu.memory_space<hbm>> -> memref<6016xi32, #tpu.memory_space<hbm>>
        %dma_wait3A_109 = tpu.memref_slice %arg3[%run_scoped3A, %run_scoped3A_95, %multiple_of3A_94] : memref<4x1x12032xi32, #tpu.memory_space<hbm>> -> memref<1x1x6016xi32, #tpu.memory_space<hbm>>
        %dma_wait3A_110 = tpu.memref_squeeze %dma_wait3A_109 : memref<1x1x6016xi32, #tpu.memory_space<hbm>> -> memref<6016xi32, #tpu.memory_space<hbm>>
        tpu.wait_dma2 semaphore(%run_scoped3A_104 : memref<!tpu.dma_semaphore, #tpu.memory_space<semaphore_mem>>) src(%dma_wait3A_110 : memref<6016xi32, #tpu.memory_space<hbm>>) dst(%arg7 : memref<6016xi32, #tpu.memory_space<vmem>>)
        tpu.yield
      }) : () -> ()
      %run_scoped3A_96 = arith.constant 2 : i32
      %run_scoped3A_97 = arith.constant 0 : i32
      "tpu.region"() ({
        %run_scoped3A_104 = tpu.sem_alloc : memref<!tpu.dma_semaphore, #tpu.memory_space<semaphore_mem>>
        %dma_start3A = tpu.memref_slice %arg4[%run_scoped3A_96, %run_scoped3A_97, %multiple_of3A_94] : memref<4x1x12032xi32, #tpu.memory_space<hbm>> -> memref<1x1x6016xi32, #tpu.memory_space<hbm>>
        %dma_start3A_105 = tpu.memref_squeeze %dma_start3A : memref<1x1x6016xi32, #tpu.memory_space<hbm>> -> memref<6016xi32, #tpu.memory_space<hbm>>
        %dma_start3A_106 = tpu.memref_slice %arg4[%run_scoped3A_96, %run_scoped3A_97, %multiple_of3A_94] : memref<4x1x12032xi32, #tpu.memory_space<hbm>> -> memref<1x1x6016xi32, #tpu.memory_space<hbm>>
        %dma_start3A_107 = tpu.memref_squeeze %dma_start3A_106 : memref<1x1x6016xi32, #tpu.memory_space<hbm>> -> memref<6016xi32, #tpu.memory_space<hbm>>
        tpu.enqueue_dma source(%dma_start3A_107 : memref<6016xi32, #tpu.memory_space<hbm>>) target(%arg8 : memref<6016xi32, #tpu.memory_space<vmem>>) target_semaphore(%run_scoped3A_104 : memref<!tpu.dma_semaphore, #tpu.memory_space<semaphore_mem>>)
        %dma_wait3A = tpu.memref_slice %arg4[%run_scoped3A_96, %run_scoped3A_97, %multiple_of3A_94] : memref<4x1x12032xi32, #tpu.memory_space<hbm>> -> memref<1x1x6016xi32, #tpu.memory_space<hbm>>
        %dma_wait3A_108 = tpu.memref_squeeze %dma_wait3A : memref<1x1x6016xi32, #tpu.memory_space<hbm>> -> memref<6016xi32, #tpu.memory_space<hbm>>
        %dma_wait3A_109 = tpu.memref_slice %arg4[%run_scoped3A_96, %run_scoped3A_97, %multiple_of3A_94] : memref<4x1x12032xi32, #tpu.memory_space<hbm>> -> memref<1x1x6016xi32, #tpu.memory_space<hbm>>
        %dma_wait3A_110 = tpu.memref_squeeze %dma_wait3A_109 : memref<1x1x6016xi32, #tpu.memory_space<hbm>> -> memref<6016xi32, #tpu.memory_space<hbm>>
        tpu.wait_dma2 semaphore(%run_scoped3A_104 : memref<!tpu.dma_semaphore, #tpu.memory_space<semaphore_mem>>) src(%dma_wait3A_110 : memref<6016xi32, #tpu.memory_space<hbm>>) dst(%arg8 : memref<6016xi32, #tpu.memory_space<vmem>>)
        tpu.yield
      }) : () -> ()
      %scan3A_98 = arith.constant 0 : i32
      %scan3A_99 = arith.constant 0 : i32
      %scan3A_100 = arith.constant 376 : i32
      %scan3A_101 = arith.addi %scan3A_99, %scan3A_100 : i32
      %scan3A_102 = arith.constant 1 : i32
      scf.for %scan3A_104 = %scan3A_99 to %scan3A_101 step %scan3A_102  : i32 {
        %mul3A_105 = arith.constant 16 : i32
        %mul3A_106 = arith.muli %scan3A_104, %mul3A_105 : i32
        %get3A = arith.index_cast %mul3A_106 : i32 to index
        %get3A_107 = tpu.vector_load %arg7[%get3A] {strides = array<i32>} : memref<6016xi32, #tpu.memory_space<vmem>>, vector<16xi32>,
        %mul3A_108 = arith.constant 16 : i32
        %mul3A_109 = arith.muli %scan3A_104, %mul3A_108 : i32
        %get3A_110 = arith.index_cast %mul3A_109 : i32 to index
        %get3A_111 = tpu.vector_load %arg8[%get3A_110] {strides = array<i32>} : memref<6016xi32, #tpu.memory_space<vmem>>, vector<16xi32>,
        %mul3A_112 = arith.constant 625 : i32
        %mul3A_113 = vector.broadcast %mul3A_112 : i32 to vector<16xi32>
        %mul3A_114 = arith.muli %get3A_111, %mul3A_113 : vector<16xi32>
        %add3A_115 = arith.addi %mul3A_114, %get3A_107 : vector<16xi32>
        %sub3A = vector.broadcast %multiple_of3A : i32 to vector<16xi32>
        %sub3A_116 = arith.subi %add3A_115, %sub3A : vector<16xi32>
        %mul3A_117 = arith.constant 16 : i32
        %mul3A_118 = arith.muli %scan3A_104, %mul3A_117 : i32
        %add3A_119 = arith.addi %multiple_of3A_94, %mul3A_118 : i32
        %add3A_120 = vector.broadcast %add3A_119 : i32 to vector<16xi32>
        %add3A_121 = arith.addi %iota3A, %add3A_120 : vector<16xi32>
        %ge3A = arith.constant 0 : i32
        %ge3A_122 = vector.broadcast %ge3A : i32 to vector<16xi32>
        %ge3A_123 = arith.cmpi sge, %sub3A_116, %ge3A_122 : vector<16xi32>
        %lt3A = arith.constant 12288 : i32
        %lt3A_124 = vector.broadcast %lt3A : i32 to vector<16xi32>
        %lt3A_125 = arith.cmpi slt, %sub3A_116, %lt3A_124 : vector<16xi32>
        %and3A = arith.andi %ge3A_123, %lt3A_125 : vector<16xi1>
        %lt3A_126 = arith.constant 12000 : i32
        %lt3A_127 = vector.broadcast %lt3A_126 : i32 to vector<16xi32>
        %lt3A_128 = arith.cmpi slt, %add3A_121, %lt3A_127 : vector<16xi32>
        %and3A_129 = arith.andi %and3A, %lt3A_128 : vector<16xi1>
        %jit3A = arith.constant 0 : i32
        %broadcast_in_dim3A_130 = vector.broadcast %jit3A : i32 to vector<16xi32>
        %select_n3A = arith.select %and3A_129, %sub3A_116, %broadcast_in_dim3A_130 : vector<16xi1>, vector<16xi32>
        tpu.vector_store_idx %arg6[%select_n3A], %add3A_121 masked %and3A_129 : memref<12288xi32, #tpu.memory_space<vmem>>[vector<16xi32>], vector<16xi32>, vector<16xi1>
      }
      %scan3A_103 = arith.constant 376 : i32
    }
    %scan3A_66 = arith.constant 2 : i32
    %scan3A_67 = arith.constant 0 : i32
    %scan3A_68 = arith.constant 0 : i32
    %scan3A_69 = arith.constant 8 : i32
    %scan3A_70 = arith.addi %scan3A_68, %scan3A_69 : i32
    %scan3A_71 = arith.constant 1 : i32
    scf.for %scan3A_91 = %scan3A_68 to %scan3A_70 step %scan3A_71  : i32 {
      %run_scoped3A = arith.constant 2 : i32
      "tpu.region"() ({
        %run_scoped3A_98 = tpu.sem_alloc : memref<!tpu.dma_semaphore, #tpu.memory_space<semaphore_mem>>
        %dma_start3A = arith.constant 0 : i32
        %dma_start3A_99 = arith.constant 0 : i32
        %dma_start3A_100 = tpu.memref_slice %arg2[%run_scoped3A, %scan3A_91, %dma_start3A, %dma_start3A_99] : memref<4x8x8x12032xf32, #tpu.memory_space<hbm>> -> memref<1x1x8x12032xf32, #tpu.memory_space<hbm>>
        %dma_start3A_101 = tpu.memref_squeeze %dma_start3A_100 : memref<1x1x8x12032xf32, #tpu.memory_space<hbm>> -> memref<8x12032xf32, #tpu.memory_space<hbm>>
        %dma_start3A_102 = arith.constant 0 : i32
        %dma_start3A_103 = arith.constant 0 : i32
        %dma_start3A_104 = tpu.memref_slice %arg2[%run_scoped3A, %scan3A_91, %dma_start3A_102, %dma_start3A_103] : memref<4x8x8x12032xf32, #tpu.memory_space<hbm>> -> memref<1x1x8x12032xf32, #tpu.memory_space<hbm>>
        %dma_start3A_105 = tpu.memref_squeeze %dma_start3A_104 : memref<1x1x8x12032xf32, #tpu.memory_space<hbm>> -> memref<8x12032xf32, #tpu.memory_space<hbm>>
        tpu.enqueue_dma source(%dma_start3A_105 : memref<8x12032xf32, #tpu.memory_space<hbm>>) target(%arg9 : memref<8x12032xf32, #tpu.memory_space<vmem>>) target_semaphore(%run_scoped3A_98 : memref<!tpu.dma_semaphore, #tpu.memory_space<semaphore_mem>>)
        %dma_wait3A = arith.constant 0 : i32
        %dma_wait3A_106 = arith.constant 0 : i32
        %dma_wait3A_107 = tpu.memref_slice %arg2[%run_scoped3A, %scan3A_91, %dma_wait3A, %dma_wait3A_106] : memref<4x8x8x12032xf32, #tpu.memory_space<hbm>> -> memref<1x1x8x12032xf32, #tpu.memory_space<hbm>>
        %dma_wait3A_108 = tpu.memref_squeeze %dma_wait3A_107 : memref<1x1x8x12032xf32, #tpu.memory_space<hbm>> -> memref<8x12032xf32, #tpu.memory_space<hbm>>
        %dma_wait3A_109 = arith.constant 0 : i32
        %dma_wait3A_110 = arith.constant 0 : i32
        %dma_wait3A_111 = tpu.memref_slice %arg2[%run_scoped3A, %scan3A_91, %dma_wait3A_109, %dma_wait3A_110] : memref<4x8x8x12032xf32, #tpu.memory_space<hbm>> -> memref<1x1x8x12032xf32, #tpu.memory_space<hbm>>
        %dma_wait3A_112 = tpu.memref_squeeze %dma_wait3A_111 : memref<1x1x8x12032xf32, #tpu.memory_space<hbm>> -> memref<8x12032xf32, #tpu.memory_space<hbm>>
        tpu.wait_dma2 semaphore(%run_scoped3A_98 : memref<!tpu.dma_semaphore, #tpu.memory_space<semaphore_mem>>) src(%dma_wait3A_112 : memref<8x12032xf32, #tpu.memory_space<hbm>>) dst(%arg9 : memref<8x12032xf32, #tpu.memory_space<vmem>>)
        tpu.yield
      }) : () -> ()
      %scan3A_92 = arith.constant 0 : i32
      %scan3A_93 = arith.constant 0 : i32
      %scan3A_94 = arith.constant 24 : i32
      %scan3A_95 = arith.addi %scan3A_93, %scan3A_94 : i32
      %scan3A_96 = arith.constant 1 : i32
      scf.for %scan3A_98 = %scan3A_93 to %scan3A_95 step %scan3A_96  : i32 {
        %mul3A_99 = arith.constant 512 : i32
        %mul3A_100 = arith.muli %scan3A_98, %mul3A_99 : i32
        %add3A_101 = arith.addi %multiple_of3A, %mul3A_100 : i32
        %multiple_of3A_102 = tpu.assume_multiple %add3A_101, 128 : i32
        %scan3A_103 = arith.constant 0 : i32
        %scan3A_104 = arith.constant 0 : i32
        %scan3A_105 = arith.constant 32 : i32
        %scan3A_106 = arith.addi %scan3A_104, %scan3A_105 : i32
        %scan3A_107 = arith.constant 1 : i32
        scf.for %scan3A_110 = %scan3A_104 to %scan3A_106 step %scan3A_107  : i32 {
          %mul3A_111 = arith.constant 512 : i32
          %mul3A_112 = arith.muli %scan3A_98, %mul3A_111 : i32
          %mul3A_113 = arith.constant 16 : i32
          %mul3A_114 = arith.muli %scan3A_110, %mul3A_113 : i32
          %add3A_115 = arith.addi %mul3A_112, %mul3A_114 : i32
          %get3A = arith.index_cast %add3A_115 : i32 to index
          %get3A_116 = tpu.vector_load %arg6[%get3A] {strides = array<i32>} : memref<12288xi32, #tpu.memory_space<vmem>>, vector<16xi32>,
          %gather3A = tpu.vector_load_idx %arg9[%broadcast_in_dim3A_5, %get3A_116] : memref<8x12032xf32, #tpu.memory_space<vmem>>[vector<16xi32>, vector<16xi32>], vector<16xf32>,
          %mul3A_117 = arith.constant 16 : i32
          %mul3A_118 = arith.muli %scan3A_110, %mul3A_117 : i32
          %swap3A = arith.constant 0 : i32
          %swap3A_119 = arith.index_cast %swap3A : i32 to index
          %swap3A_120 = arith.index_cast %mul3A_118 : i32 to index
          %swap3A_121 = tpu.vector_load %arg10[%swap3A_119, %swap3A_120] {strides = array<i32>} : memref<8x512xf32, #tpu.memory_space<vmem>>, vector<16xf32>,
          tpu.vector_store %arg10[%swap3A_119, %swap3A_120], %gather3A {strides = array<i32>} : memref<8x512xf32, #tpu.memory_space<vmem>>, vector<16xf32>,
          %gather3A_122 = tpu.vector_load_idx %arg9[%broadcast_in_dim3A_7, %get3A_116] : memref<8x12032xf32, #tpu.memory_space<vmem>>[vector<16xi32>, vector<16xi32>], vector<16xf32>,
          %mul3A_123 = arith.constant 16 : i32
          %mul3A_124 = arith.muli %scan3A_110, %mul3A_123 : i32
          %swap3A_125 = arith.constant 1 : i32
          %swap3A_126 = arith.index_cast %swap3A_125 : i32 to index
          %swap3A_127 = arith.index_cast %mul3A_124 : i32 to index
          %swap3A_128 = tpu.vector_load %arg10[%swap3A_126, %swap3A_127] {strides = array<i32>} : memref<8x512xf32, #tpu.memory_space<vmem>>, vector<16xf32>,
          tpu.vector_store %arg10[%swap3A_126, %swap3A_127], %gather3A_122 {strides = array<i32>} : memref<8x512xf32, #tpu.memory_space<vmem>>, vector<16xf32>,
          %gather3A_129 = tpu.vector_load_idx %arg9[%broadcast_in_dim3A_9, %get3A_116] : memref<8x12032xf32, #tpu.memory_space<vmem>>[vector<16xi32>, vector<16xi32>], vector<16xf32>,
          %mul3A_130 = arith.constant 16 : i32
          %mul3A_131 = arith.muli %scan3A_110, %mul3A_130 : i32
          %swap3A_132 = arith.constant 2 : i32
          %swap3A_133 = arith.index_cast %swap3A_132 : i32 to index
          %swap3A_134 = arith.index_cast %mul3A_131 : i32 to index
          %swap3A_135 = tpu.vector_load %arg10[%swap3A_133, %swap3A_134] {strides = array<i32>} : memref<8x512xf32, #tpu.memory_space<vmem>>, vector<16xf32>,
          tpu.vector_store %arg10[%swap3A_133, %swap3A_134], %gather3A_129 {strides = array<i32>} : memref<8x512xf32, #tpu.memory_space<vmem>>, vector<16xf32>,
          %gather3A_136 = tpu.vector_load_idx %arg9[%broadcast_in_dim3A_11, %get3A_116] : memref<8x12032xf32, #tpu.memory_space<vmem>>[vector<16xi32>, vector<16xi32>], vector<16xf32>,
          %mul3A_137 = arith.constant 16 : i32
          %mul3A_138 = arith.muli %scan3A_110, %mul3A_137 : i32
          %swap3A_139 = arith.constant 3 : i32
          %swap3A_140 = arith.index_cast %swap3A_139 : i32 to index
          %swap3A_141 = arith.index_cast %mul3A_138 : i32 to index
          %swap3A_142 = tpu.vector_load %arg10[%swap3A_140, %swap3A_141] {strides = array<i32>} : memref<8x512xf32, #tpu.memory_space<vmem>>, vector<16xf32>,
          tpu.vector_store %arg10[%swap3A_140, %swap3A_141], %gather3A_136 {strides = array<i32>} : memref<8x512xf32, #tpu.memory_space<vmem>>, vector<16xf32>,
          %gather3A_143 = tpu.vector_load_idx %arg9[%broadcast_in_dim3A_13, %get3A_116] : memref<8x12032xf32, #tpu.memory_space<vmem>>[vector<16xi32>, vector<16xi32>], vector<16xf32>,
          %mul3A_144 = arith.constant 16 : i32
          %mul3A_145 = arith.muli %scan3A_110, %mul3A_144 : i32
          %swap3A_146 = arith.constant 4 : i32
          %swap3A_147 = arith.index_cast %swap3A_146 : i32 to index
          %swap3A_148 = arith.index_cast %mul3A_145 : i32 to index
          %swap3A_149 = tpu.vector_load %arg10[%swap3A_147, %swap3A_148] {strides = array<i32>} : memref<8x512xf32, #tpu.memory_space<vmem>>, vector<16xf32>,
          tpu.vector_store %arg10[%swap3A_147, %swap3A_148], %gather3A_143 {strides = array<i32>} : memref<8x512xf32, #tpu.memory_space<vmem>>, vector<16xf32>,
          %gather3A_150 = tpu.vector_load_idx %arg9[%broadcast_in_dim3A_15, %get3A_116] : memref<8x12032xf32, #tpu.memory_space<vmem>>[vector<16xi32>, vector<16xi32>], vector<16xf32>,
          %mul3A_151 = arith.constant 16 : i32
          %mul3A_152 = arith.muli %scan3A_110, %mul3A_151 : i32
          %swap3A_153 = arith.constant 5 : i32
          %swap3A_154 = arith.index_cast %swap3A_153 : i32 to index
          %swap3A_155 = arith.index_cast %mul3A_152 : i32 to index
          %swap3A_156 = tpu.vector_load %arg10[%swap3A_154, %swap3A_155] {strides = array<i32>} : memref<8x512xf32, #tpu.memory_space<vmem>>, vector<16xf32>,
          tpu.vector_store %arg10[%swap3A_154, %swap3A_155], %gather3A_150 {strides = array<i32>} : memref<8x512xf32, #tpu.memory_space<vmem>>, vector<16xf32>,
          %gather3A_157 = tpu.vector_load_idx %arg9[%broadcast_in_dim3A_17, %get3A_116] : memref<8x12032xf32, #tpu.memory_space<vmem>>[vector<16xi32>, vector<16xi32>], vector<16xf32>,
          %mul3A_158 = arith.constant 16 : i32
          %mul3A_159 = arith.muli %scan3A_110, %mul3A_158 : i32
          %swap3A_160 = arith.constant 6 : i32
          %swap3A_161 = arith.index_cast %swap3A_160 : i32 to index
          %swap3A_162 = arith.index_cast %mul3A_159 : i32 to index
          %swap3A_163 = tpu.vector_load %arg10[%swap3A_161, %swap3A_162] {strides = array<i32>} : memref<8x512xf32, #tpu.memory_space<vmem>>, vector<16xf32>,
          tpu.vector_store %arg10[%swap3A_161, %swap3A_162], %gather3A_157 {strides = array<i32>} : memref<8x512xf32, #tpu.memory_space<vmem>>, vector<16xf32>,
          %gather3A_164 = tpu.vector_load_idx %arg9[%broadcast_in_dim3A_19, %get3A_116] : memref<8x12032xf32, #tpu.memory_space<vmem>>[vector<16xi32>, vector<16xi32>], vector<16xf32>,
          %mul3A_165 = arith.constant 16 : i32
          %mul3A_166 = arith.muli %scan3A_110, %mul3A_165 : i32
          %swap3A_167 = arith.constant 7 : i32
          %swap3A_168 = arith.index_cast %swap3A_167 : i32 to index
          %swap3A_169 = arith.index_cast %mul3A_166 : i32 to index
          %swap3A_170 = tpu.vector_load %arg10[%swap3A_168, %swap3A_169] {strides = array<i32>} : memref<8x512xf32, #tpu.memory_space<vmem>>, vector<16xf32>,
          tpu.vector_store %arg10[%swap3A_168, %swap3A_169], %gather3A_164 {strides = array<i32>} : memref<8x512xf32, #tpu.memory_space<vmem>>, vector<16xf32>,
        }
        %scan3A_108 = arith.constant 32 : i32
        %run_scoped3A_109 = arith.constant 2 : i32
        "tpu.region"() ({
          %run_scoped3A_110 = tpu.sem_alloc : memref<!tpu.dma_semaphore, #tpu.memory_space<semaphore_mem>>
          %dma_start3A = arith.constant 0 : i32
          %dma_start3A_111 = tpu.memref_slice %arg5[%run_scoped3A_109, %scan3A_91, %dma_start3A, %multiple_of3A_102] : memref<4x8x8x393216xf32, #tpu.memory_space<hbm>> -> memref<1x1x8x512xf32, #tpu.memory_space<hbm>>
          %dma_start3A_112 = tpu.memref_squeeze %dma_start3A_111 : memref<1x1x8x512xf32, #tpu.memory_space<hbm>> -> memref<8x512xf32, #tpu.memory_space<hbm>>
          %dma_start3A_113 = arith.constant 0 : i32
          %dma_start3A_114 = tpu.memref_slice %arg5[%run_scoped3A_109, %scan3A_91, %dma_start3A_113, %multiple_of3A_102] : memref<4x8x8x393216xf32, #tpu.memory_space<hbm>> -> memref<1x1x8x512xf32, #tpu.memory_space<hbm>>
          %dma_start3A_115 = tpu.memref_squeeze %dma_start3A_114 : memref<1x1x8x512xf32, #tpu.memory_space<hbm>> -> memref<8x512xf32, #tpu.memory_space<hbm>>
          tpu.enqueue_dma source(%arg10 : memref<8x512xf32, #tpu.memory_space<vmem>>) target(%dma_start3A_115 : memref<8x512xf32, #tpu.memory_space<hbm>>) target_semaphore(%run_scoped3A_110 : memref<!tpu.dma_semaphore, #tpu.memory_space<semaphore_mem>>)
          %dma_wait3A = arith.constant 0 : i32
          %dma_wait3A_116 = tpu.memref_slice %arg5[%run_scoped3A_109, %scan3A_91, %dma_wait3A, %multiple_of3A_102] : memref<4x8x8x393216xf32, #tpu.memory_space<hbm>> -> memref<1x1x8x512xf32, #tpu.memory_space<hbm>>
          %dma_wait3A_117 = tpu.memref_squeeze %dma_wait3A_116 : memref<1x1x8x512xf32, #tpu.memory_space<hbm>> -> memref<8x512xf32, #tpu.memory_space<hbm>>
          %dma_wait3A_118 = arith.constant 0 : i32
          %dma_wait3A_119 = tpu.memref_slice %arg5[%run_scoped3A_109, %scan3A_91, %dma_wait3A_118, %multiple_of3A_102] : memref<4x8x8x393216xf32, #tpu.memory_space<hbm>> -> memref<1x1x8x512xf32, #tpu.memory_space<hbm>>
          %dma_wait3A_120 = tpu.memref_squeeze %dma_wait3A_119 : memref<1x1x8x512xf32, #tpu.memory_space<hbm>> -> memref<8x512xf32, #tpu.memory_space<hbm>>
          tpu.wait_dma2 semaphore(%run_scoped3A_110 : memref<!tpu.dma_semaphore, #tpu.memory_space<semaphore_mem>>) src(%arg10 : memref<8x512xf32, #tpu.memory_space<vmem>>) dst(%dma_wait3A_120 : memref<8x512xf32, #tpu.memory_space<hbm>>)
          tpu.yield
        }) : () -> ()
      }
      %scan3A_97 = arith.constant 24 : i32
    }
    %scan3A_72 = arith.constant 8 : i32
    %scan3A_73 = arith.constant 0 : i32
    %scan3A_74 = arith.constant 0 : i32
    %scan3A_75 = arith.constant 768 : i32
    %scan3A_76 = arith.addi %scan3A_74, %scan3A_75 : i32
    %scan3A_77 = arith.constant 1 : i32
    scf.for %scan3A_91 = %scan3A_74 to %scan3A_76 step %scan3A_77  : i32 {
      %mul3A_92 = arith.constant 16 : i32
      %mul3A_93 = arith.muli %scan3A_91, %mul3A_92 : i32
      %swap3A = arith.index_cast %mul3A_93 : i32 to index
      %swap3A_94 = tpu.vector_load %arg6[%swap3A] {strides = array<i32>} : memref<12288xi32, #tpu.memory_space<vmem>>, vector<16xi32>,
      tpu.vector_store %arg6[%swap3A], %broadcast_in_dim3A_3 {strides = array<i32>} : memref<12288xi32, #tpu.memory_space<vmem>>, vector<16xi32>,
    }
    %scan3A_78 = arith.constant 768 : i32
    %scan3A_79 = arith.constant 0 : i32
    %scan3A_80 = arith.constant 0 : i32
    %scan3A_81 = arith.constant 2 : i32
    %scan3A_82 = arith.addi %scan3A_80, %scan3A_81 : i32
    %scan3A_83 = arith.constant 1 : i32
    scf.for %scan3A_91 = %scan3A_80 to %scan3A_82 step %scan3A_83  : i32 {
      %mul3A_92 = arith.constant 6016 : i32
      %mul3A_93 = arith.muli %scan3A_91, %mul3A_92 : i32
      %multiple_of3A_94 = tpu.assume_multiple %mul3A_93, 128 : i32
      %run_scoped3A = arith.constant 3 : i32
      %run_scoped3A_95 = arith.constant 0 : i32
      "tpu.region"() ({
        %run_scoped3A_104 = tpu.sem_alloc : memref<!tpu.dma_semaphore, #tpu.memory_space<semaphore_mem>>
        %dma_start3A = tpu.memref_slice %arg3[%run_scoped3A, %run_scoped3A_95, %multiple_of3A_94] : memref<4x1x12032xi32, #tpu.memory_space<hbm>> -> memref<1x1x6016xi32, #tpu.memory_space<hbm>>
        %dma_start3A_105 = tpu.memref_squeeze %dma_start3A : memref<1x1x6016xi32, #tpu.memory_space<hbm>> -> memref<6016xi32, #tpu.memory_space<hbm>>
        %dma_start3A_106 = tpu.memref_slice %arg3[%run_scoped3A, %run_scoped3A_95, %multiple_of3A_94] : memref<4x1x12032xi32, #tpu.memory_space<hbm>> -> memref<1x1x6016xi32, #tpu.memory_space<hbm>>
        %dma_start3A_107 = tpu.memref_squeeze %dma_start3A_106 : memref<1x1x6016xi32, #tpu.memory_space<hbm>> -> memref<6016xi32, #tpu.memory_space<hbm>>
        tpu.enqueue_dma source(%dma_start3A_107 : memref<6016xi32, #tpu.memory_space<hbm>>) target(%arg7 : memref<6016xi32, #tpu.memory_space<vmem>>) target_semaphore(%run_scoped3A_104 : memref<!tpu.dma_semaphore, #tpu.memory_space<semaphore_mem>>)
        %dma_wait3A = tpu.memref_slice %arg3[%run_scoped3A, %run_scoped3A_95, %multiple_of3A_94] : memref<4x1x12032xi32, #tpu.memory_space<hbm>> -> memref<1x1x6016xi32, #tpu.memory_space<hbm>>
        %dma_wait3A_108 = tpu.memref_squeeze %dma_wait3A : memref<1x1x6016xi32, #tpu.memory_space<hbm>> -> memref<6016xi32, #tpu.memory_space<hbm>>
        %dma_wait3A_109 = tpu.memref_slice %arg3[%run_scoped3A, %run_scoped3A_95, %multiple_of3A_94] : memref<4x1x12032xi32, #tpu.memory_space<hbm>> -> memref<1x1x6016xi32, #tpu.memory_space<hbm>>
        %dma_wait3A_110 = tpu.memref_squeeze %dma_wait3A_109 : memref<1x1x6016xi32, #tpu.memory_space<hbm>> -> memref<6016xi32, #tpu.memory_space<hbm>>
        tpu.wait_dma2 semaphore(%run_scoped3A_104 : memref<!tpu.dma_semaphore, #tpu.memory_space<semaphore_mem>>) src(%dma_wait3A_110 : memref<6016xi32, #tpu.memory_space<hbm>>) dst(%arg7 : memref<6016xi32, #tpu.memory_space<vmem>>)
        tpu.yield
      }) : () -> ()
      %run_scoped3A_96 = arith.constant 3 : i32
      %run_scoped3A_97 = arith.constant 0 : i32
      "tpu.region"() ({
        %run_scoped3A_104 = tpu.sem_alloc : memref<!tpu.dma_semaphore, #tpu.memory_space<semaphore_mem>>
        %dma_start3A = tpu.memref_slice %arg4[%run_scoped3A_96, %run_scoped3A_97, %multiple_of3A_94] : memref<4x1x12032xi32, #tpu.memory_space<hbm>> -> memref<1x1x6016xi32, #tpu.memory_space<hbm>>
        %dma_start3A_105 = tpu.memref_squeeze %dma_start3A : memref<1x1x6016xi32, #tpu.memory_space<hbm>> -> memref<6016xi32, #tpu.memory_space<hbm>>
        %dma_start3A_106 = tpu.memref_slice %arg4[%run_scoped3A_96, %run_scoped3A_97, %multiple_of3A_94] : memref<4x1x12032xi32, #tpu.memory_space<hbm>> -> memref<1x1x6016xi32, #tpu.memory_space<hbm>>
        %dma_start3A_107 = tpu.memref_squeeze %dma_start3A_106 : memref<1x1x6016xi32, #tpu.memory_space<hbm>> -> memref<6016xi32, #tpu.memory_space<hbm>>
        tpu.enqueue_dma source(%dma_start3A_107 : memref<6016xi32, #tpu.memory_space<hbm>>) target(%arg8 : memref<6016xi32, #tpu.memory_space<vmem>>) target_semaphore(%run_scoped3A_104 : memref<!tpu.dma_semaphore, #tpu.memory_space<semaphore_mem>>)
        %dma_wait3A = tpu.memref_slice %arg4[%run_scoped3A_96, %run_scoped3A_97, %multiple_of3A_94] : memref<4x1x12032xi32, #tpu.memory_space<hbm>> -> memref<1x1x6016xi32, #tpu.memory_space<hbm>>
        %dma_wait3A_108 = tpu.memref_squeeze %dma_wait3A : memref<1x1x6016xi32, #tpu.memory_space<hbm>> -> memref<6016xi32, #tpu.memory_space<hbm>>
        %dma_wait3A_109 = tpu.memref_slice %arg4[%run_scoped3A_96, %run_scoped3A_97, %multiple_of3A_94] : memref<4x1x12032xi32, #tpu.memory_space<hbm>> -> memref<1x1x6016xi32, #tpu.memory_space<hbm>>
        %dma_wait3A_110 = tpu.memref_squeeze %dma_wait3A_109 : memref<1x1x6016xi32, #tpu.memory_space<hbm>> -> memref<6016xi32, #tpu.memory_space<hbm>>
        tpu.wait_dma2 semaphore(%run_scoped3A_104 : memref<!tpu.dma_semaphore, #tpu.memory_space<semaphore_mem>>) src(%dma_wait3A_110 : memref<6016xi32, #tpu.memory_space<hbm>>) dst(%arg8 : memref<6016xi32, #tpu.memory_space<vmem>>)
        tpu.yield
      }) : () -> ()
      %scan3A_98 = arith.constant 0 : i32
      %scan3A_99 = arith.constant 0 : i32
      %scan3A_100 = arith.constant 376 : i32
      %scan3A_101 = arith.addi %scan3A_99, %scan3A_100 : i32
      %scan3A_102 = arith.constant 1 : i32
      scf.for %scan3A_104 = %scan3A_99 to %scan3A_101 step %scan3A_102  : i32 {
        %mul3A_105 = arith.constant 16 : i32
        %mul3A_106 = arith.muli %scan3A_104, %mul3A_105 : i32
        %get3A = arith.index_cast %mul3A_106 : i32 to index
        %get3A_107 = tpu.vector_load %arg7[%get3A] {strides = array<i32>} : memref<6016xi32, #tpu.memory_space<vmem>>, vector<16xi32>,
        %mul3A_108 = arith.constant 16 : i32
        %mul3A_109 = arith.muli %scan3A_104, %mul3A_108 : i32
        %get3A_110 = arith.index_cast %mul3A_109 : i32 to index
        %get3A_111 = tpu.vector_load %arg8[%get3A_110] {strides = array<i32>} : memref<6016xi32, #tpu.memory_space<vmem>>, vector<16xi32>,
        %mul3A_112 = arith.constant 625 : i32
        %mul3A_113 = vector.broadcast %mul3A_112 : i32 to vector<16xi32>
        %mul3A_114 = arith.muli %get3A_111, %mul3A_113 : vector<16xi32>
        %add3A_115 = arith.addi %mul3A_114, %get3A_107 : vector<16xi32>
        %sub3A = vector.broadcast %multiple_of3A : i32 to vector<16xi32>
        %sub3A_116 = arith.subi %add3A_115, %sub3A : vector<16xi32>
        %mul3A_117 = arith.constant 16 : i32
        %mul3A_118 = arith.muli %scan3A_104, %mul3A_117 : i32
        %add3A_119 = arith.addi %multiple_of3A_94, %mul3A_118 : i32
        %add3A_120 = vector.broadcast %add3A_119 : i32 to vector<16xi32>
        %add3A_121 = arith.addi %iota3A, %add3A_120 : vector<16xi32>
        %ge3A = arith.constant 0 : i32
        %ge3A_122 = vector.broadcast %ge3A : i32 to vector<16xi32>
        %ge3A_123 = arith.cmpi sge, %sub3A_116, %ge3A_122 : vector<16xi32>
        %lt3A = arith.constant 12288 : i32
        %lt3A_124 = vector.broadcast %lt3A : i32 to vector<16xi32>
        %lt3A_125 = arith.cmpi slt, %sub3A_116, %lt3A_124 : vector<16xi32>
        %and3A = arith.andi %ge3A_123, %lt3A_125 : vector<16xi1>
        %lt3A_126 = arith.constant 12000 : i32
        %lt3A_127 = vector.broadcast %lt3A_126 : i32 to vector<16xi32>
        %lt3A_128 = arith.cmpi slt, %add3A_121, %lt3A_127 : vector<16xi32>
        %and3A_129 = arith.andi %and3A, %lt3A_128 : vector<16xi1>
        %jit3A = arith.constant 0 : i32
        %broadcast_in_dim3A_130 = vector.broadcast %jit3A : i32 to vector<16xi32>
        %select_n3A = arith.select %and3A_129, %sub3A_116, %broadcast_in_dim3A_130 : vector<16xi1>, vector<16xi32>
        tpu.vector_store_idx %arg6[%select_n3A], %add3A_121 masked %and3A_129 : memref<12288xi32, #tpu.memory_space<vmem>>[vector<16xi32>], vector<16xi32>, vector<16xi1>
      }
      %scan3A_103 = arith.constant 376 : i32
    }
    %scan3A_84 = arith.constant 2 : i32
    %scan3A_85 = arith.constant 0 : i32
    %scan3A_86 = arith.constant 0 : i32
    %scan3A_87 = arith.constant 8 : i32
    %scan3A_88 = arith.addi %scan3A_86, %scan3A_87 : i32
    %scan3A_89 = arith.constant 1 : i32
    scf.for %scan3A_91 = %scan3A_86 to %scan3A_88 step %scan3A_89  : i32 {
      %run_scoped3A = arith.constant 3 : i32
      "tpu.region"() ({
        %run_scoped3A_98 = tpu.sem_alloc : memref<!tpu.dma_semaphore, #tpu.memory_space<semaphore_mem>>
        %dma_start3A = arith.constant 0 : i32
        %dma_start3A_99 = arith.constant 0 : i32
        %dma_start3A_100 = tpu.memref_slice %arg2[%run_scoped3A, %scan3A_91, %dma_start3A, %dma_start3A_99] : memref<4x8x8x12032xf32, #tpu.memory_space<hbm>> -> memref<1x1x8x12032xf32, #tpu.memory_space<hbm>>
        %dma_start3A_101 = tpu.memref_squeeze %dma_start3A_100 : memref<1x1x8x12032xf32, #tpu.memory_space<hbm>> -> memref<8x12032xf32, #tpu.memory_space<hbm>>
        %dma_start3A_102 = arith.constant 0 : i32
        %dma_start3A_103 = arith.constant 0 : i32
        %dma_start3A_104 = tpu.memref_slice %arg2[%run_scoped3A, %scan3A_91, %dma_start3A_102, %dma_start3A_103] : memref<4x8x8x12032xf32, #tpu.memory_space<hbm>> -> memref<1x1x8x12032xf32, #tpu.memory_space<hbm>>
        %dma_start3A_105 = tpu.memref_squeeze %dma_start3A_104 : memref<1x1x8x12032xf32, #tpu.memory_space<hbm>> -> memref<8x12032xf32, #tpu.memory_space<hbm>>
        tpu.enqueue_dma source(%dma_start3A_105 : memref<8x12032xf32, #tpu.memory_space<hbm>>) target(%arg9 : memref<8x12032xf32, #tpu.memory_space<vmem>>) target_semaphore(%run_scoped3A_98 : memref<!tpu.dma_semaphore, #tpu.memory_space<semaphore_mem>>)
        %dma_wait3A = arith.constant 0 : i32
        %dma_wait3A_106 = arith.constant 0 : i32
        %dma_wait3A_107 = tpu.memref_slice %arg2[%run_scoped3A, %scan3A_91, %dma_wait3A, %dma_wait3A_106] : memref<4x8x8x12032xf32, #tpu.memory_space<hbm>> -> memref<1x1x8x12032xf32, #tpu.memory_space<hbm>>
        %dma_wait3A_108 = tpu.memref_squeeze %dma_wait3A_107 : memref<1x1x8x12032xf32, #tpu.memory_space<hbm>> -> memref<8x12032xf32, #tpu.memory_space<hbm>>
        %dma_wait3A_109 = arith.constant 0 : i32
        %dma_wait3A_110 = arith.constant 0 : i32
        %dma_wait3A_111 = tpu.memref_slice %arg2[%run_scoped3A, %scan3A_91, %dma_wait3A_109, %dma_wait3A_110] : memref<4x8x8x12032xf32, #tpu.memory_space<hbm>> -> memref<1x1x8x12032xf32, #tpu.memory_space<hbm>>
        %dma_wait3A_112 = tpu.memref_squeeze %dma_wait3A_111 : memref<1x1x8x12032xf32, #tpu.memory_space<hbm>> -> memref<8x12032xf32, #tpu.memory_space<hbm>>
        tpu.wait_dma2 semaphore(%run_scoped3A_98 : memref<!tpu.dma_semaphore, #tpu.memory_space<semaphore_mem>>) src(%dma_wait3A_112 : memref<8x12032xf32, #tpu.memory_space<hbm>>) dst(%arg9 : memref<8x12032xf32, #tpu.memory_space<vmem>>)
        tpu.yield
      }) : () -> ()
      %scan3A_92 = arith.constant 0 : i32
      %scan3A_93 = arith.constant 0 : i32
      %scan3A_94 = arith.constant 24 : i32
      %scan3A_95 = arith.addi %scan3A_93, %scan3A_94 : i32
      %scan3A_96 = arith.constant 1 : i32
      scf.for %scan3A_98 = %scan3A_93 to %scan3A_95 step %scan3A_96  : i32 {
        %mul3A_99 = arith.constant 512 : i32
        %mul3A_100 = arith.muli %scan3A_98, %mul3A_99 : i32
        %add3A_101 = arith.addi %multiple_of3A, %mul3A_100 : i32
        %multiple_of3A_102 = tpu.assume_multiple %add3A_101, 128 : i32
        %scan3A_103 = arith.constant 0 : i32
        %scan3A_104 = arith.constant 0 : i32
        %scan3A_105 = arith.constant 32 : i32
        %scan3A_106 = arith.addi %scan3A_104, %scan3A_105 : i32
        %scan3A_107 = arith.constant 1 : i32
        scf.for %scan3A_110 = %scan3A_104 to %scan3A_106 step %scan3A_107  : i32 {
          %mul3A_111 = arith.constant 512 : i32
          %mul3A_112 = arith.muli %scan3A_98, %mul3A_111 : i32
          %mul3A_113 = arith.constant 16 : i32
          %mul3A_114 = arith.muli %scan3A_110, %mul3A_113 : i32
          %add3A_115 = arith.addi %mul3A_112, %mul3A_114 : i32
          %get3A = arith.index_cast %add3A_115 : i32 to index
          %get3A_116 = tpu.vector_load %arg6[%get3A] {strides = array<i32>} : memref<12288xi32, #tpu.memory_space<vmem>>, vector<16xi32>,
          %gather3A = tpu.vector_load_idx %arg9[%broadcast_in_dim3A_5, %get3A_116] : memref<8x12032xf32, #tpu.memory_space<vmem>>[vector<16xi32>, vector<16xi32>], vector<16xf32>,
          %mul3A_117 = arith.constant 16 : i32
          %mul3A_118 = arith.muli %scan3A_110, %mul3A_117 : i32
          %swap3A = arith.constant 0 : i32
          %swap3A_119 = arith.index_cast %swap3A : i32 to index
          %swap3A_120 = arith.index_cast %mul3A_118 : i32 to index
          %swap3A_121 = tpu.vector_load %arg10[%swap3A_119, %swap3A_120] {strides = array<i32>} : memref<8x512xf32, #tpu.memory_space<vmem>>, vector<16xf32>,
          tpu.vector_store %arg10[%swap3A_119, %swap3A_120], %gather3A {strides = array<i32>} : memref<8x512xf32, #tpu.memory_space<vmem>>, vector<16xf32>,
          %gather3A_122 = tpu.vector_load_idx %arg9[%broadcast_in_dim3A_7, %get3A_116] : memref<8x12032xf32, #tpu.memory_space<vmem>>[vector<16xi32>, vector<16xi32>], vector<16xf32>,
          %mul3A_123 = arith.constant 16 : i32
          %mul3A_124 = arith.muli %scan3A_110, %mul3A_123 : i32
          %swap3A_125 = arith.constant 1 : i32
          %swap3A_126 = arith.index_cast %swap3A_125 : i32 to index
          %swap3A_127 = arith.index_cast %mul3A_124 : i32 to index
          %swap3A_128 = tpu.vector_load %arg10[%swap3A_126, %swap3A_127] {strides = array<i32>} : memref<8x512xf32, #tpu.memory_space<vmem>>, vector<16xf32>,
          tpu.vector_store %arg10[%swap3A_126, %swap3A_127], %gather3A_122 {strides = array<i32>} : memref<8x512xf32, #tpu.memory_space<vmem>>, vector<16xf32>,
          %gather3A_129 = tpu.vector_load_idx %arg9[%broadcast_in_dim3A_9, %get3A_116] : memref<8x12032xf32, #tpu.memory_space<vmem>>[vector<16xi32>, vector<16xi32>], vector<16xf32>,
          %mul3A_130 = arith.constant 16 : i32
          %mul3A_131 = arith.muli %scan3A_110, %mul3A_130 : i32
          %swap3A_132 = arith.constant 2 : i32
          %swap3A_133 = arith.index_cast %swap3A_132 : i32 to index
          %swap3A_134 = arith.index_cast %mul3A_131 : i32 to index
          %swap3A_135 = tpu.vector_load %arg10[%swap3A_133, %swap3A_134] {strides = array<i32>} : memref<8x512xf32, #tpu.memory_space<vmem>>, vector<16xf32>,
          tpu.vector_store %arg10[%swap3A_133, %swap3A_134], %gather3A_129 {strides = array<i32>} : memref<8x512xf32, #tpu.memory_space<vmem>>, vector<16xf32>,
          %gather3A_136 = tpu.vector_load_idx %arg9[%broadcast_in_dim3A_11, %get3A_116] : memref<8x12032xf32, #tpu.memory_space<vmem>>[vector<16xi32>, vector<16xi32>], vector<16xf32>,
          %mul3A_137 = arith.constant 16 : i32
          %mul3A_138 = arith.muli %scan3A_110, %mul3A_137 : i32
          %swap3A_139 = arith.constant 3 : i32
          %swap3A_140 = arith.index_cast %swap3A_139 : i32 to index
          %swap3A_141 = arith.index_cast %mul3A_138 : i32 to index
          %swap3A_142 = tpu.vector_load %arg10[%swap3A_140, %swap3A_141] {strides = array<i32>} : memref<8x512xf32, #tpu.memory_space<vmem>>, vector<16xf32>,
          tpu.vector_store %arg10[%swap3A_140, %swap3A_141], %gather3A_136 {strides = array<i32>} : memref<8x512xf32, #tpu.memory_space<vmem>>, vector<16xf32>,
          %gather3A_143 = tpu.vector_load_idx %arg9[%broadcast_in_dim3A_13, %get3A_116] : memref<8x12032xf32, #tpu.memory_space<vmem>>[vector<16xi32>, vector<16xi32>], vector<16xf32>,
          %mul3A_144 = arith.constant 16 : i32
          %mul3A_145 = arith.muli %scan3A_110, %mul3A_144 : i32
          %swap3A_146 = arith.constant 4 : i32
          %swap3A_147 = arith.index_cast %swap3A_146 : i32 to index
          %swap3A_148 = arith.index_cast %mul3A_145 : i32 to index
          %swap3A_149 = tpu.vector_load %arg10[%swap3A_147, %swap3A_148] {strides = array<i32>} : memref<8x512xf32, #tpu.memory_space<vmem>>, vector<16xf32>,
          tpu.vector_store %arg10[%swap3A_147, %swap3A_148], %gather3A_143 {strides = array<i32>} : memref<8x512xf32, #tpu.memory_space<vmem>>, vector<16xf32>,
          %gather3A_150 = tpu.vector_load_idx %arg9[%broadcast_in_dim3A_15, %get3A_116] : memref<8x12032xf32, #tpu.memory_space<vmem>>[vector<16xi32>, vector<16xi32>], vector<16xf32>,
          %mul3A_151 = arith.constant 16 : i32
          %mul3A_152 = arith.muli %scan3A_110, %mul3A_151 : i32
          %swap3A_153 = arith.constant 5 : i32
          %swap3A_154 = arith.index_cast %swap3A_153 : i32 to index
          %swap3A_155 = arith.index_cast %mul3A_152 : i32 to index
          %swap3A_156 = tpu.vector_load %arg10[%swap3A_154, %swap3A_155] {strides = array<i32>} : memref<8x512xf32, #tpu.memory_space<vmem>>, vector<16xf32>,
          tpu.vector_store %arg10[%swap3A_154, %swap3A_155], %gather3A_150 {strides = array<i32>} : memref<8x512xf32, #tpu.memory_space<vmem>>, vector<16xf32>,
          %gather3A_157 = tpu.vector_load_idx %arg9[%broadcast_in_dim3A_17, %get3A_116] : memref<8x12032xf32, #tpu.memory_space<vmem>>[vector<16xi32>, vector<16xi32>], vector<16xf32>,
          %mul3A_158 = arith.constant 16 : i32
          %mul3A_159 = arith.muli %scan3A_110, %mul3A_158 : i32
          %swap3A_160 = arith.constant 6 : i32
          %swap3A_161 = arith.index_cast %swap3A_160 : i32 to index
          %swap3A_162 = arith.index_cast %mul3A_159 : i32 to index
          %swap3A_163 = tpu.vector_load %arg10[%swap3A_161, %swap3A_162] {strides = array<i32>} : memref<8x512xf32, #tpu.memory_space<vmem>>, vector<16xf32>,
          tpu.vector_store %arg10[%swap3A_161, %swap3A_162], %gather3A_157 {strides = array<i32>} : memref<8x512xf32, #tpu.memory_space<vmem>>, vector<16xf32>,
          %gather3A_164 = tpu.vector_load_idx %arg9[%broadcast_in_dim3A_19, %get3A_116] : memref<8x12032xf32, #tpu.memory_space<vmem>>[vector<16xi32>, vector<16xi32>], vector<16xf32>,
          %mul3A_165 = arith.constant 16 : i32
          %mul3A_166 = arith.muli %scan3A_110, %mul3A_165 : i32
          %swap3A_167 = arith.constant 7 : i32
          %swap3A_168 = arith.index_cast %swap3A_167 : i32 to index
          %swap3A_169 = arith.index_cast %mul3A_166 : i32 to index
          %swap3A_170 = tpu.vector_load %arg10[%swap3A_168, %swap3A_169] {strides = array<i32>} : memref<8x512xf32, #tpu.memory_space<vmem>>, vector<16xf32>,
          tpu.vector_store %arg10[%swap3A_168, %swap3A_169], %gather3A_164 {strides = array<i32>} : memref<8x512xf32, #tpu.memory_space<vmem>>, vector<16xf32>,
        }
        %scan3A_108 = arith.constant 32 : i32
        %run_scoped3A_109 = arith.constant 3 : i32
        "tpu.region"() ({
          %run_scoped3A_110 = tpu.sem_alloc : memref<!tpu.dma_semaphore, #tpu.memory_space<semaphore_mem>>
          %dma_start3A = arith.constant 0 : i32
          %dma_start3A_111 = tpu.memref_slice %arg5[%run_scoped3A_109, %scan3A_91, %dma_start3A, %multiple_of3A_102] : memref<4x8x8x393216xf32, #tpu.memory_space<hbm>> -> memref<1x1x8x512xf32, #tpu.memory_space<hbm>>
          %dma_start3A_112 = tpu.memref_squeeze %dma_start3A_111 : memref<1x1x8x512xf32, #tpu.memory_space<hbm>> -> memref<8x512xf32, #tpu.memory_space<hbm>>
          %dma_start3A_113 = arith.constant 0 : i32
          %dma_start3A_114 = tpu.memref_slice %arg5[%run_scoped3A_109, %scan3A_91, %dma_start3A_113, %multiple_of3A_102] : memref<4x8x8x393216xf32, #tpu.memory_space<hbm>> -> memref<1x1x8x512xf32, #tpu.memory_space<hbm>>
          %dma_start3A_115 = tpu.memref_squeeze %dma_start3A_114 : memref<1x1x8x512xf32, #tpu.memory_space<hbm>> -> memref<8x512xf32, #tpu.memory_space<hbm>>
          tpu.enqueue_dma source(%arg10 : memref<8x512xf32, #tpu.memory_space<vmem>>) target(%dma_start3A_115 : memref<8x512xf32, #tpu.memory_space<hbm>>) target_semaphore(%run_scoped3A_110 : memref<!tpu.dma_semaphore, #tpu.memory_space<semaphore_mem>>)
          %dma_wait3A = arith.constant 0 : i32
          %dma_wait3A_116 = tpu.memref_slice %arg5[%run_scoped3A_109, %scan3A_91, %dma_wait3A, %multiple_of3A_102] : memref<4x8x8x393216xf32, #tpu.memory_space<hbm>> -> memref<1x1x8x512xf32, #tpu.memory_space<hbm>>
          %dma_wait3A_117 = tpu.memref_squeeze %dma_wait3A_116 : memref<1x1x8x512xf32, #tpu.memory_space<hbm>> -> memref<8x512xf32, #tpu.memory_space<hbm>>
          %dma_wait3A_118 = arith.constant 0 : i32
          %dma_wait3A_119 = tpu.memref_slice %arg5[%run_scoped3A_109, %scan3A_91, %dma_wait3A_118, %multiple_of3A_102] : memref<4x8x8x393216xf32, #tpu.memory_space<hbm>> -> memref<1x1x8x512xf32, #tpu.memory_space<hbm>>
          %dma_wait3A_120 = tpu.memref_squeeze %dma_wait3A_119 : memref<1x1x8x512xf32, #tpu.memory_space<hbm>> -> memref<8x512xf32, #tpu.memory_space<hbm>>
          tpu.wait_dma2 semaphore(%run_scoped3A_110 : memref<!tpu.dma_semaphore, #tpu.memory_space<semaphore_mem>>) src(%arg10 : memref<8x512xf32, #tpu.memory_space<vmem>>) dst(%dma_wait3A_120 : memref<8x512xf32, #tpu.memory_space<hbm>>)
          tpu.yield
        }) : () -> ()
      }
      %scan3A_97 = arith.constant 24 : i32
    }
    %scan3A_90 = arith.constant 8 : i32
    return
  }
}

</mosaic_0001>

<sc_bundles>
// kernel: kernel.3.cloned.1.call-start
scs
__scs_entry_jumppad:
0x0: {  	(pc) =	sbr.rel $0x88, $3  }
0x1: {  	(tag) =	ssettag $0x0;
	lr =	simm.s32 $0x1  }
0x2: {  	[smem:$0x3F9F] =	sst lr;
	_ =	strace $0xD0000000  }
0x3: {  	_ = 	snop  }
0x4: {  	_ = 	snop  }
0x5: {  	_ = 	snop  }
0x6: {  	_ = 	snop  }
0x7: {  	_ = 	snop  }
__scs_overlays_trampoline_lowered:
0x8: {  	[smem:$0x3FAE] =	sst s0  }
0x9: {  	[smem:$0x3FAF] =	sst s1  }
0xa: {  	[smem:$0x3FB0] =	sst s2  }
0xb: {  	[smem:$0x3FB1] =	sst s3  }
0xc: {  	[smem:$0x3FB2] =	sst s4  }
0xd: {  	[smem:$0x3FB3] =	sst s5  }
0xe: {  	[smem:$0x3FB4] =	sst s6  }
0xf: {  	[smem:$0x3FB5] =	sst s7  }
0x10: {  	[smem:$0x3FB6] =	sst s8  }
0x11: {  	[smem:$0x3FB7] =	sst s9;
	s0 =	simm.s32 @!p0 $0x0  }
0x12: {  	s1 =	sld [smem:$0x3F9D];
	s0 =	simm.s32 @p0 $0x1  }
0x13: {  	[smem:$0x3FB8] =	sst s0;
	s0 =	simm.s32 @!p1 $0x0  }
0x14: {  	s2 =	sld [smem:$0x3F9C];
	s0 =	simm.s32 @p1 $0x1  }
0x15: {  	[smem:$0x3FB9] =	sst s0;
	s0 =	simm.s32 @!p2 $0x0  }
0x16: {  	s3 =	sld [smem:$0x3FDB];
	s0 =	simm.s32 @p2 $0x1  }
0x17: {  	s4 =	simm.s32 $0x1BF5;
	[smem:$0x3FBB] =	sst s0  }
0x18: {  	s0 =	sld [smem:$0x3F9E];
	_ =	swait.ge [sflag:s4], $0x0  }
0x19: {  	s7 =	sld [smem:$0x3F9F]  }
0x1a: {  	s8 =	sadd.s32 $0xFFFFE003, lr  }
0x1b: {  	s9 =	sadd.s32 $0xFFFFFEF7, lr;
	s5 =	simm.s32 $0xFFFFFFFF;
	p2 =	slt.u32 s8, $0xFFFFF086  }
0x1c: {  	p1 =	slt.u32 s9, $0xF7A;
	s5 =	simm.s32 @!p2 $0x0  }
0x1d: {  	s5 =	simm.s32 @p1 $0x1;
	p0 =	seq.s32 s7, s2  }
0x1e: {  	s7 =	smul.u32 @!p0 $0xF7A, s2;
	p2 =	seq.s32 @!p0 s5, $0x0  }
0x1f: {  	s9 =	smul.u32 $0xF7A, s1;
	s8 =	simm.s32 @!p0 $0x1BF5;
	p2 =	por !p2, p0  }
0x20: {  	[sflag:s8] =	ssyncset.s32 @!p0 $0xFFFFF086;
	s6 =	sadd.s32 @!p0 s3, s7;
	s7 =	simm.s32 @!p0 $0x108  }
0x21: {  	s3 =	sadd.s32 s3, s9;
	s6 =	sadd.s32 @!p0 $0x88, s6;
	s7 =	simm.s32 @p2 $0x1082  }
0x22: {  	[simem:s7], [sflag:s8] =	dma.local @!p0 [hbm:s6], $0xF7A  }
0x23: {  	s9 =	sor.u32 $0xD0000000, s2;
	s6 =	simm.s32 $0x108;
	_ =	swait.ge @!p0 [sflag:s8], $0x0  }
0x24: {  	s3 =	sadd.s32 $0x88, s3;
	s6 =	simm.s32 @!p1 $0x1082;
	[sflag:s4] =	ssyncset.s32 $0xFFFFF086  }
0x25: {  	[simem:s6], [sflag:s4] =	dma.local [hbm:s3], $0xF7A  }
0x26: {  	[smem:$0x3F9F] =	sst s1;
	(tag) =	ssettag s2;
	_ =	strace s9  }
0x27: {  	s1 =	sld [smem:$0x3FAF]  }
0x28: {  	s2 =	sld [smem:$0x3FB0]  }
0x29: {  	s4 =	sld [smem:$0x3FB2]  }
0x2a: {  	p0 =	seq.s32 s5, $0x0;
	s5 =	sld [smem:$0x3FB3]  }
0x2b: {  	s6 =	sld [smem:$0x3FB4]  }
0x2c: {  	s7 =	sld [smem:$0x3FB5]  }
0x2d: {  	s3 =	simm.s32 $0x108;
	s8 =	sld [smem:$0x3FB6]  }
0x2e: {  	s3 =	simm.s32 @!p0 $0x1082;
	s9 =	sld [smem:$0x3FB7]  }
0x2f: {  	lr =	sadd.s32 s0, s3;
	s0 =	sld [smem:$0x3FAE]  }
0x30: {  	s3 =	sld [smem:$0x3FB1]  }
0x31: {  	[smem:$0x3FBA] =	sst s10  }
0x32: {  	s10 =	sld [smem:$0x3FB8];
	_ =	sdelay $0x3  }
0x33: {  	p0 =	seq.s32 s10, $0x1;
	s10 =	sld [smem:$0x3FBA];
	_ =	sdelay $0x3  }
0x34: {  	[smem:$0x3FBA] =	sst s10  }
0x35: {  	s10 =	sld [smem:$0x3FB9];
	_ =	sdelay $0x3  }
0x36: {  	p1 =	seq.s32 s10, $0x1;
	s10 =	sld [smem:$0x3FBA];
	_ =	sdelay $0x3  }
0x37: {  	[smem:$0x3FBA] =	sst s10  }
0x38: {  	s10 =	sld [smem:$0x3FBB]  }
0x39: {  	_ = 	snop;
	(pc) =	sbr.ind lr, $3  }
0x3a: {  	_ = 	snop  }
0x3b: {  	_ = 	snop  }
0x3c: {  	p2 =	seq.s32 s10, $0x1;
	s10 =	sld [smem:$0x3FBA]  }
0x3d: {  	_ =	shalt  }
0x3e: {  	_ =	shalt  }
0x3f: {  	_ =	shalt  }
0x40: {  	_ =	shalt  }
0x41: {  	_ =	shalt  }
0x42: {  	_ =	shalt  }
0x43: {  	_ =	shalt  }
0x44: {  	_ =	shalt  }
0x45: {  	_ =	shalt  }
0x46: {  	_ =	shalt  }
0x47: {  	_ =	shalt  }
0x48: {  	_ =	shalt  }
0x49: {  	_ =	shalt  }
0x4a: {  	_ =	shalt  }
0x4b: {  	_ =	shalt  }
0x4c: {  	_ =	shalt  }
0x4d: {  	_ =	shalt  }
0x4e: {  	_ =	shalt  }
0x4f: {  	_ =	shalt  }
0x50: {  	_ =	shalt  }
0x51: {  	_ =	shalt  }
0x52: {  	_ =	shalt  }
0x53: {  	_ =	shalt  }
0x54: {  	_ =	shalt  }
0x55: {  	_ =	shalt  }
0x56: {  	_ =	shalt  }
0x57: {  	_ =	shalt  }
0x58: {  	_ =	shalt  }
0x59: {  	_ =	shalt  }
0x5a: {  	_ =	shalt  }
0x5b: {  	_ =	shalt  }
0x5c: {  	_ =	shalt  }
0x5d: {  	_ =	shalt  }
0x5e: {  	_ =	shalt  }
0x5f: {  	_ =	shalt  }
0x60: {  	_ =	shalt  }
0x61: {  	_ =	shalt  }
0x62: {  	_ =	shalt  }
0x63: {  	_ =	shalt  }
0x64: {  	_ =	shalt  }
0x65: {  	_ =	shalt  }
0x66: {  	_ =	shalt  }
0x67: {  	_ =	shalt  }
0x68: {  	_ =	shalt  }
0x69: {  	_ =	shalt  }
0x6a: {  	_ =	shalt  }
0x6b: {  	_ =	shalt  }
0x6c: {  	_ =	shalt  }
0x6d: {  	_ =	shalt  }
0x6e: {  	_ =	shalt  }
0x6f: {  	_ =	shalt  }
0x70: {  	_ =	shalt  }
0x71: {  	_ =	shalt  }
0x72: {  	_ =	shalt  }
0x73: {  	_ =	shalt  }
0x74: {  	_ =	shalt  }
0x75: {  	_ =	shalt  }
0x76: {  	_ =	shalt  }
0x77: {  	_ =	shalt  }
0x78: {  	_ =	shalt  }
0x79: {  	_ =	shalt  }
0x7a: {  	_ =	shalt  }
0x7b: {  	_ =	shalt  }
0x7c: {  	_ =	shalt  }
0x7d: {  	_ =	shalt  }
0x7e: {  	_ =	shalt  }
0x7f: {  	_ =	shalt  }
0x80: {  	_ =	shalt  }
0x81: {  	_ =	shalt  }
0x82: {  	_ =	shalt  }
0x83: {  	_ =	shalt  }
0x84: {  	_ =	shalt  }
0x85: {  	_ =	shalt  }
0x86: {  	_ =	shalt  }
0x87: {  	_ =	shalt  }
.Lfunc_end0:
.L_simem_size_0:
called_computation.1_lowered:
.L_overlay_start_0:
0x88: {  	s2 =	sld [smem:$0x3FD9]  }
0x89: {  	s3 =	sld [smem:$0x3FFE];
	_ =	sdelay $0x1  }
0x8a: {  	s1 =	srdreg.scid  }
0x8b: {  	s0 =	sand.u32 $0x1, s1  }
0x8c: {  	s17 =	sshll.u32 s0, $0xA;
	s2 =	sadd.s32 s3, s2  }
0x8d: {  	s2 =	sadd.s32 s2, s17  }
0x8e: {  	[smem:$0x3FC6] =	sst s2  }
0x8f: {  	_ = 	snop  }
0x90: {  	s2 =	sld [smem:$0x3FD0];
	(tm) =	ssettm $0x1  }
0x91: {  	s18 =	sld [smem:$0x3FFB];
	_ =	sdelay $0x3  }
0x92: {  	_ =	strace s18  }
0x93: {  	s3 =	sld [smem:$0x3FFC];
	_ =	sdelay $0x3  }
0x94: {  	_ =	strace s3  }
0x95: {  	s3 =	sld [smem:$0x3FFD];
	_ =	sdelay $0x3  }
0x96: {  	_ =	strace s3  }
0x97: {  	_ =	strace $0x8FFFFFFF  }
0x98: {  	s19 =	sld [smem:$0x3FDB];
	_ =	sdelay $0x1  }
0x99: {  	s4 =	simm.s32 $_scs_section_size  }
0x9a: {  	s5 =	simm.s32 $_size__tile_overlayer_lowered;
	s6 =	simm.s32 $_tile_overlayer_lowered  }
0x9b: {  	s22 =	simm.s32 $0x1BFF;
	s21 =	sshll.u32 s6, $0x1;
	s3 =	sadd.s32 s4, s19  }
0x9c: {  	s7 =	simm.s32 $0x0;
	s20 =	sshll.u32 s5, $0x1;
	s5 =	sadd.s32 s21, s3  }
0x9d: {  	[timem:s7], [sflag:s22] =	dma.local [hbm:s5], s20  }
0x9e: {  	_ =	swait.ge [sflag:s22], s20  }
0x9f: {  	s4 =	ssub.s32 $0x0, s20;
	[sflag:s22] =	ssyncset.done $0x0  }
0xa0: {  	[sflag:s22] =	ssyncadd.s32 s4;
	_ =	sdelay $0x1  }
0xa1: {  	s23 =	simm.s32 $0x1B8B  }
0xa2: {  	_ =	swait.ge [sflag:s23], $0x1  }
0xa3: {  	[sflag:s23] =	ssyncset.done $0x0  }
0xa4: {  	s25 =	simm.s32 $0x1B8E;
	s24 =	sld [smem:$0x3FFE];
	[sflag:s23] =	ssyncadd.s32 $0xFFFFFFFF  }
0xa5: {  	s26 =	simm.s32 $execute0_lowered;
	[smem:$0x3FD2] =	sst s25  }
0xa6: {  	s5 =	sshll.u32 s26, $0x1;
	_ =	strace $0x80000046;
	[dreg:$0x1] =	wrdreg $0xFFFFFFFF  }
0xa7: {  	s28 =	simm.s32 $_size_execute0_lowered;
	s3 =	sadd.s32 s3, s5;
	[dreg:$0x0] =	wrdreg $0x0  }
0xa8: {  	s5 =	sshll.u32 s28, $0x1;
	[dreg:$0x2] =	wrdreg s3  }
0xa9: {  	[dreg:$0x3] =	wrdreg s5  }
0xaa: {  	[dreg:$0x4] =	wrdreg $0xC0  }
0xab: {  	_ =	task [dreg:s7], $0x5FFFF  }
0xac: {  	[dreg:$0x1] =	wrdreg $0xFFFFFFFF  }
0xad: {  	[dreg:$0x0] =	wrdreg $0x60  }
0xae: {  	[dreg:$0x2] =	wrdreg s24  }
0xaf: {  	[dreg:$0x3] =	wrdreg s2  }
0xb0: {  	[dreg:$0x4] =	wrdreg $0x9  }
0xb1: {  	_ =	task.clear_ibuf [dreg:s7], $0x5FFFF;
	_ =	strace $0x90000046  }
0xb2: {  	s29 =	simm.s32 $0x9;
	_ =	strace $0x80000048  }
0xb3: {  	_ =	swait.ge [sflag:s29], $0x1  }
0xb4: {  	[sflag:s29] =	ssyncadd.s32 $0xFFFFFFFF  }
0xb5: {  	_ =	strace $0x90000048  }
0xb6: {  	_ =	sfence  }
0xb7: {  	s30 =	sld [smem:$0x0];
	_ =	sdelay $0x2  }
0xb8: {  	s31 =	sshll.u32 s1, $0xD;
	s1 =	sshrl.u32 s1, $0x2  }
0xb9: {  	s3 =	sand.u32 $0x4000, s31;
	s1 =	sadd.s32 s1, s30  }
0xba: {  	s0 =	sor.u32 s3, s0;
	s1 =	sshll.u32 s1, $0x11  }
0xbb: {  	s0 =	sor.u32 s1, s0  }
0xbc: {  	s0 =	sadd.s32 $0x8F2B, s0  }
0xbd: {  	[sflag:s0] =	ssyncadd.remote.s32 $0x1  }
0xbe: {  	_ =	sfence.sel $0xFFFF  }
0xbf: {  	[dreg:$0x0] =	wrdreg $0xFFFFFFFF;
	(pc) =	sbr.abs _section_cstart, $3  }
0xc0: {  	[dreg:$0x1] =	wrdreg $0xFFFFFFFF  }
0xc1: {  	_ =	task.clear_ibuf [dreg:s7], $0x2FFFF;
	_ =	strace $0x9FFFFFFF  }
0xc2: {  	(tm) =	ssettm $0x7FFFFFFF  }
0xc3: {  	_ =	shalt  }
tec
execute0_lowered:
.L_overlay_start_1:
0x0: {  	(tag) =	ssettag $0x1  }
0x1: {  	s0 =	rddreg [dreg:$0x0]  }
0x2: {  	s1 =	rddreg [dreg:$0x1];
	s2 =	simm.s32 $0x0;
	s3 =	srdreg.scid  }
0x3: {  	s6 =	stileid.u32;
	s22 =	simm.s32 $0x1;
	s23 =	simm.s32 $0x5F00  }
0x4: {  	s24 =	simm.s32 $0x1D700;
	s25 =	simm.s32 $0x0;
	[smem:$0x7FF] =	sst s2  }
0x5: {  	s4 =	sand.u32 $0x1, s3;
	s6 =	sshll.u32 s6, $0x1;
	s3 =	sadd.s32 $0x3A00, s0  }
0x6: {  	s26 =	sadd.s32 $0x2200, s0;
	s28 =	sadd.s32 $0xA00, s0;
	s29 =	sadd.s32 $0x24F0, s0  }
0x7: {  	s30 =	sadd.s32 $0xCF0, s0;
	s31 =	sadd.s32 $0x27E0, s0;
	s11 =	sadd.s32 $0xFE0, s0  }
0x8: {  	s12 =	sadd.s32 $0x2AD0, s0;
	s13 =	sadd.s32 $0x12D0, s0;
	s14 =	sadd.s32 $0x2DC0, s0  }
0x9: {  	s15 =	sadd.s32 $0x15C0, s0;
	s16 =	sadd.s32 $0x30B0, s0;
	_ =	strace $0x80000047  }
0xa: {  	s5 =	ssub.s32 $0x2, s4;
	s4 =	sor.u32 s4, s6;
	[dreg:$0x3] =	wrdreg s26  }
0xb: {  	s17 =	sadd.s32 $0x18B0, s0;
	[dreg:$0x4] =	wrdreg s28;
	s4 =	smul.u32 $0x3000, s4  }
0xc: {  	s18 =	sadd.s32 $0x33A0, s0;
	[dreg:$0x6] =	wrdreg s29;
	s7 =	sshrl.u32 s5, $0x1  }
0xd: {  	s19 =	sadd.s32 $0x1BA0, s0;
	[dreg:$0x7] =	wrdreg s30;
	s5 =	ssub.s32 s5, s7;
	v0 =	vmov s4  }
0xe: {  	s20 =	sadd.s32 $0x3690, s0;
	[dreg:$0x8] =	wrdreg s31;
	s5 =	smax.u32 s5, $0x1;
	v0 =	vsub.s32 $0x0, v0  }
0xf: {  	v1 =	vimm.s32 $0x2EE0;
	v2 =	vlaneseq.u32;
	s21 =	sadd.s32 $0x1E90, s0;
	s9 =	sadd.s32 s1, s4;
	[dreg:$0x5] =	wrdreg s5;
	v0 =	vbroadcast v0, $0x0  }
.LBB2_1:
0x10: {  	s0 =	simm.s32 $0x40;
	s1 =	simm.s32 $0x0  }
.LBB2_2:
0x11: {  	p0 =	sne.s32 s0, $0xBFC0;
	[tilespmem:s1+$0x0] =	vst v1;
	s1 =	smov.u32 s0;
	s0 =	sadd.s32 $0x40, s0  }
.Ltmp0:
0x12: {  	(pc) =	sbr.rel @p0 .LBB2_2-.Ltmp0, $2  }
0x13: {  	_ =	sdelay $0x2  }
0x14: {  	s1 =	sshra.s32 s1, $0x2  }
0x15: {  	[tilespmem:s1+$0x0] =	vst v1;
	s0 =	simm.s32 $0x0;
	s1 =	simm.s32 $0x3000;
	s4 =	rddreg [dreg:$0x3]  }
0x16: {  	[tilespmem:s1], [sflag:$0x1] =	stream.linear.gather [hbm4b:s4+s0], $0x1780, $0x38;
	[tilespmem:$0x1E700] =	vst v63  }
0x17: {  	_ =	swait.ge [sflag:s22], $0x1780  }
0x18: {  	[sflag:s22] =	ssyncset.done $0x0  }
0x19: {  	s4 =	simm.s32 $0x4780;
	s5 =	rddreg [dreg:$0x4];
	[sflag:s22] =	ssyncadd.s32 $0xFFFFE880  }
0x1a: {  	[tilespmem:s4], [sflag:$0x1] =	stream.linear.gather [hbm4b:s5+s0], $0x1780, $0x38;
	[tilespmem:$0x1E700] =	vst v63  }
0x1b: {  	_ =	swait.ge [sflag:s22], $0x1780  }
0x1c: {  	[sflag:s22] =	ssyncset.done $0x0  }
0x1d: {  	[sflag:s22] =	ssyncadd.s32 $0xFFFFE880  }
0x1e: {  	s5 =	simm.s32 $0x10;
	v3 =	vld [tilespmem:s4+$0x0]  }
.LBB2_4:
0x1f: {  	p0 =	sne.s32 s5, $0x1770;
	v4 =	vld [tilespmem:s1+$0x0];
	_ =	sdelay $0x3  }
0x20: {  	v3 =	vmul.u32 $0x271, v3  }
0x21: {  	v4 =	vadd.s32 v0, v4  }
0x22: {  	v3 =	vadd.s32 v3, v4;
	v4 =	vmov s0  }
0x23: {  	vm0 =	vlt.u32 v3, $0x3000;
	vm1 =	vlt.u32 v4, $0x2EE0  }
0x24: {  	vm0 =	vmand vm1, vm0  }
0x25: {  	v3 =	vnsel vm0, $0x0, v3;
	_ =	sdelay $0x1  }
.Ltmp1:
0x26: {  	(pc) =	sbr.rel @p0 .LBB2_4-.Ltmp1, $4  }
0x27: {  	_ = 	snop  }
0x28: {  	v4 =	vor.u32 s0, v2;
	s0 =	smov.u32 s5  }
0x29: {  	s4 =	sadd.s32 $0x10, s4;
	[tilespmem:v3+s2+$0x0] =	vst.idx.msk vm0, v4  }
0x2a: {  	s1 =	sadd.s32 $0x10, s1;
	s5 =	sadd.s32 $0x10, s5;
	v3 =	vld [tilespmem:s4+$0x0]  }
0x2b: {  	v4 =	vld [tilespmem:s1+$0x0];
	_ =	sdelay $0x3  }
0x2c: {  	v3 =	vmul.u32 $0x271, v3  }
0x2d: {  	v4 =	vadd.s32 v0, v4  }
0x2e: {  	v3 =	vadd.s32 v3, v4;
	v4 =	vmov s0  }
0x2f: {  	vm0 =	vlt.u32 v3, $0x3000;
	vm1 =	vlt.u32 v4, $0x2EE0  }
0x30: {  	vm0 =	vmand vm1, vm0  }
0x31: {  	v3 =	vnsel vm0, $0x0, v3;
	_ =	sdelay $0x3  }
0x32: {  	v4 =	vor.u32 s0, v2  }
0x33: {  	s30 =	rddreg [dreg:$0x6];
	s0 =	simm.s32 $0x3000;
	[tilespmem:v3+s2+$0x0] =	vst.idx.msk vm0, v4  }
0x34: {  	[tilespmem:s0], [sflag:$0x1] =	stream.linear.gather [hbm4b:s30+s2], $0x1780, $0x38;
	[tilespmem:$0x1E700] =	vst v63  }
0x35: {  	_ =	swait.ge [sflag:s22], $0x1780  }
0x36: {  	[sflag:s22] =	ssyncset.done $0x0  }
0x37: {  	s4 =	simm.s32 $0x4780;
	s31 =	rddreg [dreg:$0x7];
	[sflag:s22] =	ssyncadd.s32 $0xFFFFE880  }
0x38: {  	[tilespmem:s4], [sflag:$0x1] =	stream.linear.gather [hbm4b:s31+s2], $0x1780, $0x38;
	[tilespmem:$0x1E700] =	vst v63  }
0x39: {  	_ =	swait.ge [sflag:s22], $0x1780  }
0x3a: {  	[sflag:s22] =	ssyncset.done $0x0  }
0x3b: {  	[sflag:s22] =	ssyncadd.s32 $0xFFFFE880  }
0x3c: {  	s1 =	simm.s32 $0x1780;
	s5 =	simm.s32 $0x1790;
	v3 =	vld [tilespmem:s4+$0x0]  }
.LBB2_6:
0x3d: {  	p0 =	sne.s32 s5, $0x2EF0;
	v4 =	vld [tilespmem:s0+$0x0];
	_ =	sdelay $0x3  }
0x3e: {  	v3 =	vmul.u32 $0x271, v3  }
0x3f: {  	v4 =	vadd.s32 v0, v4  }
0x40: {  	v3 =	vadd.s32 v3, v4;
	v4 =	vmov s1  }
0x41: {  	vm0 =	vlt.u32 v3, $0x3000;
	vm1 =	vlt.u32 v4, $0x2EE0  }
0x42: {  	vm0 =	vmand vm1, vm0  }
0x43: {  	v3 =	vnsel vm0, $0x0, v3;
	_ =	sdelay $0x1  }
.Ltmp2:
0x44: {  	(pc) =	sbr.rel @p0 .LBB2_6-.Ltmp2, $4  }
0x45: {  	_ = 	snop  }
0x46: {  	s26 =	simm.s32 $0x0;
	v4 =	vor.u32 s1, v2;
	s1 =	smov.u32 s5  }
0x47: {  	s4 =	sadd.s32 $0x10, s4;
	[tilespmem:v3+s26+$0x0] =	vst.idx.msk vm0, v4  }
0x48: {  	s0 =	sadd.s32 $0x10, s0;
	s5 =	sadd.s32 $0x10, s5;
	v3 =	vld [tilespmem:s4+$0x0]  }
0x49: {  	v4 =	vld [tilespmem:s0+$0x0];
	_ =	sdelay $0x3  }
0x4a: {  	v3 =	vmul.u32 $0x271, v3  }
0x4b: {  	v4 =	vadd.s32 v0, v4  }
0x4c: {  	v62 =	vmov s1;
	v3 =	vadd.s32 v3, v4  }
0x4d: {  	vm1 =	vlt.u32 v62, $0x2EE0;
	vm0 =	vlt.u32 v3, $0x3000  }
0x4e: {  	vm0 =	vmand vm1, vm0  }
0x4f: {  	v3 =	vnsel vm0, $0x0, v3;
	_ =	sdelay $0x3  }
0x50: {  	v63 =	vor.u32 s1, v2  }
0x51: {  	s28 =	simm.s32 $0x0;
	[tilespmem:v3+s26+$0x0] =	vst.idx.msk vm0, v63  }
.LBB2_8:
0x52: {  	s0 =	smul.u32 $0x2F00, s28;
	_ =	sdelay $0x1  }
0x53: {  	s0 =	sadd.s32 s3, s0  }
0x54: {  	[tilespmem:s23], [sflag:$0x1] =	stream.linear.gather [hbm4b:s0+s26], $0x17800, $0x38;
	[tilespmem:$0x1E700] =	vst v63  }
0x55: {  	s31 =	smul.u32 $0x60000, s28;
	_ =	swait.ge [sflag:s22], $0x17800  }
0x56: {  	[sflag:s22] =	ssyncset.done $0x0  }
0x57: {  	s30 =	simm.s32 $0x0;
	s29 =	sadd.s32 s9, s31;
	[sflag:s22] =	ssyncadd.s32 $0xFFFE8800  }
.LBB2_9:
0x58: {  	s0 =	simm.s32 $0x0  }
0x59: {  	s31 =	sshll.u32 s30, $0x9;
	s1 =	sand.u32 $0x180, s0  }
0x5a: {  	s4 =	sand.u32 $0x70, s0;
	s1 =	sadd.s32 s1, s31  }
0x5b: {  	s1 =	sadd.s32 s4, s1  }
0x5c: {  	v3 =	vld [tilespmem:s1+$0x0];
	_ =	sdelay $0x4  }
0x5d: {  	v4 =	vshll.u32 v3, $0x3  }
0x5e: {  	v3 =	vand.u32 $0x7F, v3;
	v4 =	vand.u32 $0xFFFFFC00, v4  }
0x5f: {  	v3 =	vor.u32 v3, v4;
	_ =	sdelay $0x4  }
0x60: {  	v4 =	vld.idx.msk [tilespmem:v3+s23+$0x0], $0xffff  }
0x61: {  	v5 =	vor.u32 $0x80, v3;
	_ =	sdelay $0x1  }
0x62: {  	s8 =	sand.u32 $0xC00, s0  }
0x63: {  	s1 =	sor.u32 s4, s8  }
0x64: {  	[tilespmem:s1+$0x1D700] =	vst v4  }
0x65: {  	v4 =	vld.idx.msk [tilespmem:v5+s23+$0x0], $0xffff  }
0x66: {  	v5 =	vor.u32 $0x100, v3;
	_ =	sdelay $0x2  }
0x67: {  	s5 =	sadd.s32 $0x1D700, s1  }
0x68: {  	[tilespmem:s5+$0x80] =	vst v4  }
0x69: {  	v4 =	vld.idx.msk [tilespmem:v5+s23+$0x0], $0xffff  }
0x6a: {  	v5 =	vor.u32 $0x180, v3;
	_ =	sdelay $0x3  }
0x6b: {  	[tilespmem:s5+$0x100] =	vst v4  }
0x6c: {  	v4 =	vld.idx.msk [tilespmem:v5+s23+$0x0], $0xffff  }
0x6d: {  	v5 =	vor.u32 $0x200, v3;
	_ =	sdelay $0x3  }
0x6e: {  	[tilespmem:s5+$0x180] =	vst v4  }
0x6f: {  	v4 =	vld.idx.msk [tilespmem:v5+s23+$0x0], $0xffff  }
0x70: {  	v5 =	vor.u32 $0x280, v3;
	_ =	sdelay $0x3  }
0x71: {  	[tilespmem:s5+$0x200] =	vst v4  }
0x72: {  	v4 =	vld.idx.msk [tilespmem:v5+s23+$0x0], $0xffff  }
0x73: {  	v5 =	vor.u32 $0x300, v3;
	_ =	sdelay $0x3  }
0x74: {  	[tilespmem:s5+$0x280] =	vst v4  }
0x75: {  	v4 =	vld.idx.msk [tilespmem:v5+s23+$0x0], $0xffff  }
0x76: {  	v3 =	vor.u32 $0x380, v3;
	_ =	sdelay $0x3  }
0x77: {  	[tilespmem:s5+$0x300] =	vst v4  }
0x78: {  	v3 =	vld.idx.msk [tilespmem:v3+s23+$0x0], $0xffff  }
0x79: {  	s1 =	simm.s32 $0x10  }
0x7a: {  	s7 =	sor.u32 s0, s0;
	s4 =	simm.s32 $0x20;
	s10 =	sand.u32 $0x180, s1  }
0x7b: {  	s8 =	sor.u32 $0x380, s7;
	s6 =	sand.u32 $0x70, s1;
	s5 =	sadd.s32 s10, s31  }
.LBB2_10:
0x7c: {  	s10 =	sadd.s32 s6, s5  }
0x7d: {  	[tilespmem:s8+$0x1D700] =	vst v3;
	s0 =	sadd.s32 $0x80, s0;
	s5 =	smov.u32 s4;
	s7 =	sadd.s32 $0x10, s4  }
0x7e: {  	p0 =	sne.s32 s4, $0x1F0;
	v3 =	vld [tilespmem:s10+$0x0];
	_ =	sdelay $0x4  }
0x7f: {  	v4 =	vshll.u32 v3, $0x3  }
0x80: {  	v3 =	vand.u32 $0x7F, v3;
	v4 =	vand.u32 $0xFFFFFC00, v4  }
0x81: {  	v3 =	vor.u32 v3, v4;
	_ =	sdelay $0x4  }
0x82: {  	v4 =	vld.idx.msk [tilespmem:v3+s23+$0x0], $0xffff;
	_ =	sdelay $0x1  }
0x83: {  	v5 =	vor.u32 $0x80, v3;
	_ =	sdelay $0x1  }
0x84: {  	s4 =	sand.u32 $0xC00, s0  }
0x85: {  	s4 =	sor.u32 s6, s4  }
0x86: {  	[tilespmem:s4+$0x1D700] =	vst v4  }
0x87: {  	v4 =	vld.idx.msk [tilespmem:v5+s23+$0x0], $0xffff;
	_ =	sdelay $0x1  }
0x88: {  	v5 =	vor.u32 $0x100, v3;
	_ =	sdelay $0x2  }
0x89: {  	s4 =	sadd.s32 $0x1D700, s4  }
0x8a: {  	[tilespmem:s4+$0x80] =	vst v4  }
0x8b: {  	v4 =	vld.idx.msk [tilespmem:v5+s23+$0x0], $0xffff;
	_ =	sdelay $0x1  }
0x8c: {  	v5 =	vor.u32 $0x180, v3;
	_ =	sdelay $0x3  }
0x8d: {  	[tilespmem:s4+$0x100] =	vst v4  }
0x8e: {  	v4 =	vld.idx.msk [tilespmem:v5+s23+$0x0], $0xffff;
	_ =	sdelay $0x1  }
0x8f: {  	v5 =	vor.u32 $0x200, v3;
	_ =	sdelay $0x3  }
0x90: {  	[tilespmem:s4+$0x180] =	vst v4  }
0x91: {  	v4 =	vld.idx.msk [tilespmem:v5+s23+$0x0], $0xffff;
	_ =	sdelay $0x1  }
0x92: {  	v5 =	vor.u32 $0x280, v3;
	_ =	sdelay $0x3  }
0x93: {  	[tilespmem:s4+$0x200] =	vst v4  }
0x94: {  	v4 =	vld.idx.msk [tilespmem:v5+s23+$0x0], $0xffff;
	_ =	sdelay $0x1  }
0x95: {  	v5 =	vor.u32 $0x300, v3;
	_ =	sdelay $0x3  }
0x96: {  	[tilespmem:s4+$0x280] =	vst v4  }
0x97: {  	v4 =	vld.idx.msk [tilespmem:v5+s23+$0x0], $0xffff;
	_ =	sdelay $0x1  }
0x98: {  	v3 =	vor.u32 $0x380, v3;
	_ =	sdelay $0x3  }
0x99: {  	[tilespmem:s4+$0x300] =	vst v4  }
0x9a: {  	v3 =	vld.idx.msk [tilespmem:v3+s23+$0x0], $0xffff  }
.Ltmp3:
0x9b: {  	(pc) =	sbr.rel @p0 .LBB2_10-.Ltmp3, $4  }
0x9c: {  	_ = 	snop  }
0x9d: {  	s8 =	sor.u32 s0, s1;
	s1 =	smov.u32 s5  }
0x9e: {  	s6 =	sand.u32 $0x70, s1;
	s4 =	sand.u32 $0x180, s5  }
0x9f: {  	s8 =	sor.u32 $0x380, s8;
	s5 =	sadd.s32 s4, s31;
	s4 =	smov.u32 s7  }
0xa0: {  	s4 =	sadd.s32 s6, s5;
	[tilespmem:s8+$0x1D700] =	vst v3  }
0xa1: {  	v3 =	vld [tilespmem:s4+$0x0];
	_ =	sdelay $0x4  }
0xa2: {  	v4 =	vshll.u32 v3, $0x3  }
0xa3: {  	v3 =	vand.u32 $0x7F, v3;
	v4 =	vand.u32 $0xFFFFFC00, v4  }
0xa4: {  	v3 =	vor.u32 v3, v4;
	_ =	sdelay $0x4  }
0xa5: {  	v4 =	vld.idx.msk [tilespmem:v3+s23+$0x0], $0xffff  }
0xa6: {  	v5 =	vor.u32 $0x80, v3  }
0xa7: {  	s0 =	sadd.s32 $0x80, s0  }
0xa8: {  	s10 =	sand.u32 $0xC00, s0  }
0xa9: {  	s4 =	sor.u32 s6, s10  }
0xaa: {  	[tilespmem:s4+$0x1D700] =	vst v4  }
0xab: {  	v4 =	vld.idx.msk [tilespmem:v5+s23+$0x0], $0xffff  }
0xac: {  	v59 =	vor.u32 $0x100, v3;
	_ =	sdelay $0x2  }
0xad: {  	s4 =	sadd.s32 $0x1D700, s4  }
0xae: {  	[tilespmem:s4+$0x80] =	vst v4  }
0xaf: {  	v4 =	vld.idx.msk [tilespmem:v59+s23+$0x0], $0xffff  }
0xb0: {  	v60 =	vor.u32 $0x180, v3;
	_ =	sdelay $0x3  }
0xb1: {  	[tilespmem:s4+$0x100] =	vst v4  }
0xb2: {  	v4 =	vld.idx.msk [tilespmem:v60+s23+$0x0], $0xffff  }
0xb3: {  	v61 =	vor.u32 $0x200, v3;
	_ =	sdelay $0x3  }
0xb4: {  	[tilespmem:s4+$0x180] =	vst v4  }
0xb5: {  	v4 =	vld.idx.msk [tilespmem:v61+s23+$0x0], $0xffff  }
0xb6: {  	v62 =	vor.u32 $0x280, v3;
	_ =	sdelay $0x3  }
0xb7: {  	[tilespmem:s4+$0x200] =	vst v4  }
0xb8: {  	v4 =	vld.idx.msk [tilespmem:v62+s23+$0x0], $0xffff  }
0xb9: {  	v63 =	vor.u32 $0x300, v3;
	_ =	sdelay $0x3  }
0xba: {  	[tilespmem:s4+$0x280] =	vst v4  }
0xbb: {  	v4 =	vld.idx.msk [tilespmem:v63+s23+$0x0], $0xffff  }
0xbc: {  	v3 =	vor.u32 $0x380, v3;
	_ =	sdelay $0x3  }
0xbd: {  	[tilespmem:s4+$0x300] =	vst v4  }
0xbe: {  	v3 =	vld.idx.msk [tilespmem:v3+s23+$0x0], $0xffff;
	_ =	sdelay $0x2  }
0xbf: {  	s30 =	sadd.s32 $0x1, s30;
	s0 =	sor.u32 s0, s1  }
0xc0: {  	p0 =	sne.s32 s30, $0x18;
	s0 =	sor.u32 $0x380, s0  }
.Ltmp4:
0xc1: {  	s31 =	sadd.s32 s29, s31;
	[tilespmem:s0+$0x1D700] =	vst v3;
	(pc) =	sbr.rel @p0 .LBB2_9-.Ltmp4, $4  }
0xc2: {  	[hbm4b:s31+s2] =	stream.linear.scatter [tilespmem:s24], [sflag:$0x1], $0x1000, $0x38;
	[tilespmem:$0x1E700] =	vst v63  }
0xc3: {  	_ =	swait.ge [sflag:s22], $0x1000  }
0xc4: {  	[sflag:s22] =	ssyncset.done $0x0  }
0xc5: {  	[sflag:s22] =	ssyncadd.s32 $0xFFFFF000  }
0xc6: {  	s28 =	sadd.s32 $0x1, s28  }
0xc7: {  	p0 =	seq.s32 s28, $0x8  }
.Ltmp5:
0xc8: {  	_ = 	snop;
	(pc) =	sbr.rel @!p0 .LBB2_8-.Ltmp5, $1  }
0xc9: {  	_ =	sdelay $0x3  }
0xca: {  	s0 =	simm.s32 $0x40;
	s1 =	simm.s32 $0x0  }
.LBB2_14:
0xcb: {  	p0 =	seq.s32 s0, $0xBFC0;
	[tilespmem:s1+$0x0] =	vst v1;
	s1 =	smov.u32 s0;
	s0 =	sadd.s32 $0x40, s0  }
.Ltmp6:
0xcc: {  	(pc) =	sbr.rel @!p0 .LBB2_14-.Ltmp6, $2  }
0xcd: {  	_ =	sdelay $0x2  }
0xce: {  	s1 =	sshra.s32 s1, $0x2  }
0xcf: {  	[tilespmem:s1+$0x0] =	vst v1;
	s0 =	simm.s32 $0x0;
	s1 =	simm.s32 $0x3000;
	s4 =	rddreg [dreg:$0x8]  }
0xd0: {  	[tilespmem:s1], [sflag:$0x1] =	stream.linear.gather [hbm4b:s4+s0], $0x1780, $0x38;
	[tilespmem:$0x1E700] =	vst v63  }
0xd1: {  	_ =	swait.ge [sflag:s22], $0x1780  }
0xd2: {  	[sflag:s22] =	ssyncset.done $0x0  }
0xd3: {  	s4 =	simm.s32 $0x4780;
	[sflag:s22] =	ssyncadd.s32 $0xFFFFE880  }
0xd4: {  	[tilespmem:s4], [sflag:$0x1] =	stream.linear.gather [hbm4b:s11+s0], $0x1780, $0x38;
	[tilespmem:$0x1E700] =	vst v63  }
0xd5: {  	_ =	swait.ge [sflag:s22], $0x1780  }
0xd6: {  	[sflag:s22] =	ssyncset.done $0x0  }
0xd7: {  	[sflag:s22] =	ssyncadd.s32 $0xFFFFE880  }
0xd8: {  	s5 =	simm.s32 $0x10;
	v3 =	vld [tilespmem:s4+$0x0]  }
.LBB2_16:
0xd9: {  	p0 =	sne.s32 s5, $0x1770;
	v4 =	vld [tilespmem:s1+$0x0];
	_ =	sdelay $0x3  }
0xda: {  	v3 =	vmul.u32 $0x271, v3  }
0xdb: {  	v4 =	vadd.s32 v0, v4  }
0xdc: {  	v3 =	vadd.s32 v3, v4;
	v4 =	vmov s0  }
0xdd: {  	vm0 =	vlt.u32 v3, $0x3000;
	vm1 =	vlt.u32 v4, $0x2EE0  }
0xde: {  	vm0 =	vmand vm1, vm0  }
0xdf: {  	v3 =	vnsel vm0, $0x0, v3;
	_ =	sdelay $0x1  }
.Ltmp7:
0xe0: {  	(pc) =	sbr.rel @p0 .LBB2_16-.Ltmp7, $4  }
0xe1: {  	_ = 	snop  }
0xe2: {  	v4 =	vor.u32 s0, v2;
	s0 =	smov.u32 s5  }
0xe3: {  	s4 =	sadd.s32 $0x10, s4;
	[tilespmem:v3+s2+$0x0] =	vst.idx.msk vm0, v4  }
0xe4: {  	s1 =	sadd.s32 $0x10, s1;
	s5 =	sadd.s32 $0x10, s5;
	v3 =	vld [tilespmem:s4+$0x0]  }
0xe5: {  	v4 =	vld [tilespmem:s1+$0x0];
	_ =	sdelay $0x3  }
0xe6: {  	v3 =	vmul.u32 $0x271, v3  }
0xe7: {  	v4 =	vadd.s32 v0, v4  }
0xe8: {  	v3 =	vadd.s32 v3, v4;
	v4 =	vmov s0  }
0xe9: {  	vm0 =	vlt.u32 v3, $0x3000;
	vm1 =	vlt.u32 v4, $0x2EE0  }
0xea: {  	vm0 =	vmand vm1, vm0  }
0xeb: {  	v3 =	vnsel vm0, $0x0, v3;
	_ =	sdelay $0x3  }
0xec: {  	v4 =	vor.u32 s0, v2  }
0xed: {  	s0 =	simm.s32 $0x3000;
	[tilespmem:v3+s2+$0x0] =	vst.idx.msk vm0, v4  }
0xee: {  	[tilespmem:s0], [sflag:$0x1] =	stream.linear.gather [hbm4b:s12+s2], $0x1780, $0x38;
	[tilespmem:$0x1E700] =	vst v63  }
0xef: {  	_ =	swait.ge [sflag:s22], $0x1780  }
0xf0: {  	[sflag:s22] =	ssyncset.done $0x0  }
0xf1: {  	s4 =	simm.s32 $0x4780;
	[sflag:s22] =	ssyncadd.s32 $0xFFFFE880  }
0xf2: {  	[tilespmem:s4], [sflag:$0x1] =	stream.linear.gather [hbm4b:s13+s2], $0x1780, $0x38;
	[tilespmem:$0x1E700] =	vst v63  }
0xf3: {  	_ =	swait.ge [sflag:s22], $0x1780  }
0xf4: {  	[sflag:s22] =	ssyncset.done $0x0  }
0xf5: {  	[sflag:s22] =	ssyncadd.s32 $0xFFFFE880  }
0xf6: {  	s1 =	simm.s32 $0x1780;
	s5 =	simm.s32 $0x1790;
	v3 =	vld [tilespmem:s4+$0x0]  }
.LBB2_18:
0xf7: {  	p0 =	sne.s32 s5, $0x2EF0;
	v4 =	vld [tilespmem:s0+$0x0];
	_ =	sdelay $0x3  }
0xf8: {  	v3 =	vmul.u32 $0x271, v3  }
0xf9: {  	v4 =	vadd.s32 v0, v4  }
0xfa: {  	v3 =	vadd.s32 v3, v4;
	v4 =	vmov s1  }
0xfb: {  	vm0 =	vlt.u32 v3, $0x3000;
	vm1 =	vlt.u32 v4, $0x2EE0  }
0xfc: {  	vm0 =	vmand vm1, vm0  }
0xfd: {  	v3 =	vnsel vm0, $0x0, v3;
	_ =	sdelay $0x1  }
.Ltmp8:
0xfe: {  	(pc) =	sbr.rel @p0 .LBB2_18-.Ltmp8, $4  }
0xff: {  	_ = 	snop  }
0x100: {  	s26 =	simm.s32 $0x0;
	v4 =	vor.u32 s1, v2;
	s1 =	smov.u32 s5  }
0x101: {  	s4 =	sadd.s32 $0x10, s4;
	[tilespmem:v3+s26+$0x0] =	vst.idx.msk vm0, v4  }
0x102: {  	s0 =	sadd.s32 $0x10, s0;
	s5 =	sadd.s32 $0x10, s5;
	v3 =	vld [tilespmem:s4+$0x0]  }
0x103: {  	v4 =	vld [tilespmem:s0+$0x0];
	_ =	sdelay $0x3  }
0x104: {  	v3 =	vmul.u32 $0x271, v3  }
0x105: {  	v4 =	vadd.s32 v0, v4  }
0x106: {  	v62 =	vmov s1;
	v3 =	vadd.s32 v3, v4  }
0x107: {  	vm1 =	vlt.u32 v62, $0x2EE0;
	vm0 =	vlt.u32 v3, $0x3000  }
0x108: {  	vm0 =	vmand vm1, vm0  }
0x109: {  	v3 =	vnsel vm0, $0x0, v3;
	_ =	sdelay $0x3  }
0x10a: {  	v63 =	vor.u32 s1, v2  }
0x10b: {  	s28 =	simm.s32 $0x0;
	[tilespmem:v3+s26+$0x0] =	vst.idx.msk vm0, v63  }
.LBB2_20:
0x10c: {  	s0 =	smul.u32 $0x17800, s28;
	_ =	sdelay $0x1  }
0x10d: {  	s0 =	sshrl.u32 s0, $0x3  }
0x10e: {  	s0 =	sadd.s32 s3, s0  }
0x10f: {  	s1 =	smul.u32 $0x300000, s28;
	s0 =	sadd.s32 $0x17800, s0  }
0x110: {  	[tilespmem:s23], [sflag:$0x1] =	stream.linear.gather [hbm4b:s0+s26], $0x17800, $0x38;
	[tilespmem:$0x1E700] =	vst v63  }
0x111: {  	s31 =	sshrl.u32 s1, $0x3;
	_ =	swait.ge [sflag:s22], $0x17800  }
0x112: {  	s0 =	sadd.s32 s9, s31;
	[sflag:s22] =	ssyncset.done $0x0  }
0x113: {  	s30 =	simm.s32 $0x0;
	s29 =	sadd.s32 $0x300000, s0;
	[sflag:s22] =	ssyncadd.s32 $0xFFFE8800  }
.LBB2_21:
0x114: {  	s0 =	simm.s32 $0x0  }
0x115: {  	s31 =	sshll.u32 s30, $0x9;
	s1 =	sand.u32 $0x180, s0  }
0x116: {  	s4 =	sand.u32 $0x70, s0;
	s1 =	sadd.s32 s1, s31  }
0x117: {  	s1 =	sadd.s32 s4, s1  }
0x118: {  	v3 =	vld [tilespmem:s1+$0x0];
	_ =	sdelay $0x4  }
0x119: {  	v4 =	vshll.u32 v3, $0x3  }
0x11a: {  	v3 =	vand.u32 $0x7F, v3;
	v4 =	vand.u32 $0xFFFFFC00, v4  }
0x11b: {  	v3 =	vor.u32 v3, v4;
	_ =	sdelay $0x4  }
0x11c: {  	v4 =	vld.idx.msk [tilespmem:v3+s23+$0x0], $0xffff  }
0x11d: {  	v5 =	vor.u32 $0x80, v3;
	_ =	sdelay $0x1  }
0x11e: {  	s8 =	sand.u32 $0xC00, s0  }
0x11f: {  	s1 =	sor.u32 s4, s8  }
0x120: {  	[tilespmem:s1+$0x1D700] =	vst v4  }
0x121: {  	v4 =	vld.idx.msk [tilespmem:v5+s23+$0x0], $0xffff  }
0x122: {  	v5 =	vor.u32 $0x100, v3;
	_ =	sdelay $0x2  }
0x123: {  	s4 =	sadd.s32 $0x1D700, s1  }
0x124: {  	[tilespmem:s4+$0x80] =	vst v4  }
0x125: {  	v4 =	vld.idx.msk [tilespmem:v5+s23+$0x0], $0xffff  }
0x126: {  	v5 =	vor.u32 $0x180, v3;
	_ =	sdelay $0x3  }
0x127: {  	[tilespmem:s4+$0x100] =	vst v4  }
0x128: {  	v4 =	vld.idx.msk [tilespmem:v5+s23+$0x0], $0xffff  }
0x129: {  	v5 =	vor.u32 $0x200, v3;
	_ =	sdelay $0x3  }
0x12a: {  	[tilespmem:s4+$0x180] =	vst v4  }
0x12b: {  	v4 =	vld.idx.msk [tilespmem:v5+s23+$0x0], $0xffff  }
0x12c: {  	v5 =	vor.u32 $0x280, v3;
	_ =	sdelay $0x3  }
0x12d: {  	[tilespmem:s4+$0x200] =	vst v4  }
0x12e: {  	v4 =	vld.idx.msk [tilespmem:v5+s23+$0x0], $0xffff  }
0x12f: {  	v5 =	vor.u32 $0x300, v3;
	_ =	sdelay $0x3  }
0x130: {  	[tilespmem:s4+$0x280] =	vst v4  }
0x131: {  	v4 =	vld.idx.msk [tilespmem:v5+s23+$0x0], $0xffff  }
0x132: {  	v3 =	vor.u32 $0x380, v3;
	_ =	sdelay $0x3  }
0x133: {  	[tilespmem:s4+$0x300] =	vst v4  }
0x134: {  	v3 =	vld.idx.msk [tilespmem:v3+s23+$0x0], $0xffff  }
0x135: {  	s1 =	simm.s32 $0x10  }
0x136: {  	s7 =	simm.s32 $0x20;
	s8 =	sor.u32 s0, s0;
	s10 =	sand.u32 $0x180, s1  }
0x137: {  	s8 =	sor.u32 $0x380, s8;
	s6 =	sand.u32 $0x70, s1;
	s5 =	sadd.s32 s10, s31  }
.LBB2_22:
0x138: {  	s10 =	sadd.s32 s6, s5  }
0x139: {  	[tilespmem:s8+$0x1D700] =	vst v3;
	s0 =	sadd.s32 $0x80, s0;
	s5 =	smov.u32 s7;
	s4 =	sadd.s32 $0x10, s7  }
0x13a: {  	p0 =	sne.s32 s7, $0x1F0;
	v3 =	vld [tilespmem:s10+$0x0];
	_ =	sdelay $0x4  }
0x13b: {  	v4 =	vshll.u32 v3, $0x3  }
0x13c: {  	v3 =	vand.u32 $0x7F, v3;
	v4 =	vand.u32 $0xFFFFFC00, v4  }
0x13d: {  	v3 =	vor.u32 v3, v4;
	_ =	sdelay $0x4  }
0x13e: {  	v4 =	vld.idx.msk [tilespmem:v3+s23+$0x0], $0xffff;
	_ =	sdelay $0x1  }
0x13f: {  	v5 =	vor.u32 $0x80, v3;
	_ =	sdelay $0x1  }
0x140: {  	s7 =	sand.u32 $0xC00, s0  }
0x141: {  	s6 =	sor.u32 s6, s7  }
0x142: {  	[tilespmem:s6+$0x1D700] =	vst v4  }
0x143: {  	v4 =	vld.idx.msk [tilespmem:v5+s23+$0x0], $0xffff;
	_ =	sdelay $0x1  }
0x144: {  	v5 =	vor.u32 $0x100, v3;
	_ =	sdelay $0x2  }
0x145: {  	s6 =	sadd.s32 $0x1D700, s6  }
0x146: {  	[tilespmem:s6+$0x80] =	vst v4  }
0x147: {  	v4 =	vld.idx.msk [tilespmem:v5+s23+$0x0], $0xffff;
	_ =	sdelay $0x1  }
0x148: {  	v5 =	vor.u32 $0x180, v3;
	_ =	sdelay $0x3  }
0x149: {  	[tilespmem:s6+$0x100] =	vst v4  }
0x14a: {  	v4 =	vld.idx.msk [tilespmem:v5+s23+$0x0], $0xffff;
	_ =	sdelay $0x1  }
0x14b: {  	v5 =	vor.u32 $0x200, v3;
	_ =	sdelay $0x3  }
0x14c: {  	[tilespmem:s6+$0x180] =	vst v4  }
0x14d: {  	v4 =	vld.idx.msk [tilespmem:v5+s23+$0x0], $0xffff;
	_ =	sdelay $0x1  }
0x14e: {  	v5 =	vor.u32 $0x280, v3;
	_ =	sdelay $0x3  }
0x14f: {  	[tilespmem:s6+$0x200] =	vst v4  }
0x150: {  	v4 =	vld.idx.msk [tilespmem:v5+s23+$0x0], $0xffff;
	_ =	sdelay $0x1  }
0x151: {  	v5 =	vor.u32 $0x300, v3;
	_ =	sdelay $0x3  }
0x152: {  	[tilespmem:s6+$0x280] =	vst v4  }
0x153: {  	v4 =	vld.idx.msk [tilespmem:v5+s23+$0x0], $0xffff;
	_ =	sdelay $0x1  }
0x154: {  	v3 =	vor.u32 $0x380, v3;
	_ =	sdelay $0x3  }
0x155: {  	[tilespmem:s6+$0x300] =	vst v4  }
0x156: {  	v3 =	vld.idx.msk [tilespmem:v3+s23+$0x0], $0xffff  }
.Ltmp9:
0x157: {  	(pc) =	sbr.rel @p0 .LBB2_22-.Ltmp9, $4  }
0x158: {  	_ = 	snop  }
0x159: {  	s8 =	sor.u32 s0, s1  }
0x15a: {  	s1 =	smov.u32 s5;
	s7 =	sand.u32 $0x180, s5;
	s8 =	sor.u32 $0x380, s8  }
0x15b: {  	s5 =	sadd.s32 s7, s31;
	s7 =	smov.u32 s4;
	s6 =	sand.u32 $0x70, s1  }
0x15c: {  	s4 =	sadd.s32 s6, s5;
	[tilespmem:s8+$0x1D700] =	vst v3  }
0x15d: {  	v3 =	vld [tilespmem:s4+$0x0];
	_ =	sdelay $0x4  }
0x15e: {  	v4 =	vshll.u32 v3, $0x3  }
0x15f: {  	v3 =	vand.u32 $0x7F, v3;
	v4 =	vand.u32 $0xFFFFFC00, v4  }
0x160: {  	v3 =	vor.u32 v3, v4;
	_ =	sdelay $0x4  }
0x161: {  	v4 =	vld.idx.msk [tilespmem:v3+s23+$0x0], $0xffff  }
0x162: {  	v5 =	vor.u32 $0x80, v3  }
0x163: {  	s0 =	sadd.s32 $0x80, s0  }
0x164: {  	s10 =	sand.u32 $0xC00, s0  }
0x165: {  	s4 =	sor.u32 s6, s10  }
0x166: {  	[tilespmem:s4+$0x1D700] =	vst v4  }
0x167: {  	v4 =	vld.idx.msk [tilespmem:v5+s23+$0x0], $0xffff  }
0x168: {  	v59 =	vor.u32 $0x100, v3;
	_ =	sdelay $0x2  }
0x169: {  	s4 =	sadd.s32 $0x1D700, s4  }
0x16a: {  	[tilespmem:s4+$0x80] =	vst v4  }
0x16b: {  	v4 =	vld.idx.msk [tilespmem:v59+s23+$0x0], $0xffff  }
0x16c: {  	v60 =	vor.u32 $0x180, v3;
	_ =	sdelay $0x3  }
0x16d: {  	[tilespmem:s4+$0x100] =	vst v4  }
0x16e: {  	v4 =	vld.idx.msk [tilespmem:v60+s23+$0x0], $0xffff  }
0x16f: {  	v61 =	vor.u32 $0x200, v3;
	_ =	sdelay $0x3  }
0x170: {  	[tilespmem:s4+$0x180] =	vst v4  }
0x171: {  	v4 =	vld.idx.msk [tilespmem:v61+s23+$0x0], $0xffff  }
0x172: {  	v62 =	vor.u32 $0x280, v3;
	_ =	sdelay $0x3  }
0x173: {  	[tilespmem:s4+$0x200] =	vst v4  }
0x174: {  	v4 =	vld.idx.msk [tilespmem:v62+s23+$0x0], $0xffff  }
0x175: {  	v63 =	vor.u32 $0x300, v3;
	_ =	sdelay $0x3  }
0x176: {  	[tilespmem:s4+$0x280] =	vst v4  }
0x177: {  	v4 =	vld.idx.msk [tilespmem:v63+s23+$0x0], $0xffff  }
0x178: {  	v3 =	vor.u32 $0x380, v3;
	_ =	sdelay $0x3  }
0x179: {  	[tilespmem:s4+$0x300] =	vst v4  }
0x17a: {  	v3 =	vld.idx.msk [tilespmem:v3+s23+$0x0], $0xffff;
	_ =	sdelay $0x2  }
0x17b: {  	s30 =	sadd.s32 $0x1, s30;
	s0 =	sor.u32 s0, s1  }
0x17c: {  	p0 =	sne.s32 s30, $0x18;
	s0 =	sor.u32 $0x380, s0  }
.Ltmp10:
0x17d: {  	s31 =	sadd.s32 s29, s31;
	[tilespmem:s0+$0x1D700] =	vst v3;
	(pc) =	sbr.rel @p0 .LBB2_21-.Ltmp10, $4  }
0x17e: {  	[hbm4b:s31+s2] =	stream.linear.scatter [tilespmem:s24], [sflag:$0x1], $0x1000, $0x38;
	[tilespmem:$0x1E700] =	vst v63  }
0x17f: {  	_ =	swait.ge [sflag:s22], $0x1000  }
0x180: {  	[sflag:s22] =	ssyncset.done $0x0  }
0x181: {  	[sflag:s22] =	ssyncadd.s32 $0xFFFFF000  }
0x182: {  	s28 =	sadd.s32 $0x1, s28  }
0x183: {  	p0 =	seq.s32 s28, $0x8  }
.Ltmp11:
0x184: {  	_ = 	snop;
	(pc) =	sbr.rel @!p0 .LBB2_20-.Ltmp11, $1  }
0x185: {  	_ =	sdelay $0x3  }
0x186: {  	s0 =	simm.s32 $0x40;
	s1 =	simm.s32 $0x0  }
.LBB2_26:
0x187: {  	p0 =	seq.s32 s0, $0xBFC0;
	[tilespmem:s1+$0x0] =	vst v1;
	s1 =	smov.u32 s0;
	s0 =	sadd.s32 $0x40, s0  }
.Ltmp12:
0x188: {  	(pc) =	sbr.rel @!p0 .LBB2_26-.Ltmp12, $2  }
0x189: {  	_ =	sdelay $0x2  }
0x18a: {  	s1 =	sshra.s32 s1, $0x2  }
0x18b: {  	[tilespmem:s1+$0x0] =	vst v1;
	s0 =	simm.s32 $0x0;
	s1 =	simm.s32 $0x3000  }
0x18c: {  	[tilespmem:s1], [sflag:$0x1] =	stream.linear.gather [hbm4b:s14+s0], $0x1780, $0x38;
	[tilespmem:$0x1E700] =	vst v63  }
0x18d: {  	_ =	swait.ge [sflag:s22], $0x1780  }
0x18e: {  	[sflag:s22] =	ssyncset.done $0x0  }
0x18f: {  	s4 =	simm.s32 $0x4780;
	[sflag:s22] =	ssyncadd.s32 $0xFFFFE880  }
0x190: {  	[tilespmem:s4], [sflag:$0x1] =	stream.linear.gather [hbm4b:s15+s0], $0x1780, $0x38;
	[tilespmem:$0x1E700] =	vst v63  }
0x191: {  	_ =	swait.ge [sflag:s22], $0x1780  }
0x192: {  	[sflag:s22] =	ssyncset.done $0x0  }
0x193: {  	[sflag:s22] =	ssyncadd.s32 $0xFFFFE880  }
0x194: {  	s5 =	simm.s32 $0x10;
	v3 =	vld [tilespmem:s4+$0x0]  }
.LBB2_28:
0x195: {  	p0 =	sne.s32 s5, $0x1770;
	v4 =	vld [tilespmem:s1+$0x0];
	_ =	sdelay $0x3  }
0x196: {  	v3 =	vmul.u32 $0x271, v3  }
0x197: {  	v4 =	vadd.s32 v0, v4  }
0x198: {  	v3 =	vadd.s32 v3, v4;
	v4 =	vmov s0  }
0x199: {  	vm0 =	vlt.u32 v3, $0x3000;
	vm1 =	vlt.u32 v4, $0x2EE0  }
0x19a: {  	vm0 =	vmand vm1, vm0  }
0x19b: {  	v3 =	vnsel vm0, $0x0, v3;
	_ =	sdelay $0x1  }
.Ltmp13:
0x19c: {  	(pc) =	sbr.rel @p0 .LBB2_28-.Ltmp13, $4  }
0x19d: {  	_ = 	snop  }
0x19e: {  	v4 =	vor.u32 s0, v2;
	s0 =	smov.u32 s5  }
0x19f: {  	s4 =	sadd.s32 $0x10, s4;
	[tilespmem:v3+s2+$0x0] =	vst.idx.msk vm0, v4  }
0x1a0: {  	s1 =	sadd.s32 $0x10, s1;
	s5 =	sadd.s32 $0x10, s5;
	v3 =	vld [tilespmem:s4+$0x0]  }
0x1a1: {  	v4 =	vld [tilespmem:s1+$0x0];
	_ =	sdelay $0x3  }
0x1a2: {  	v3 =	vmul.u32 $0x271, v3  }
0x1a3: {  	v4 =	vadd.s32 v0, v4  }
0x1a4: {  	v3 =	vadd.s32 v3, v4;
	v4 =	vmov s0  }
0x1a5: {  	vm0 =	vlt.u32 v3, $0x3000;
	vm1 =	vlt.u32 v4, $0x2EE0  }
0x1a6: {  	vm0 =	vmand vm1, vm0  }
0x1a7: {  	v3 =	vnsel vm0, $0x0, v3;
	_ =	sdelay $0x3  }
0x1a8: {  	v4 =	vor.u32 s0, v2  }
0x1a9: {  	s0 =	simm.s32 $0x3000;
	[tilespmem:v3+s2+$0x0] =	vst.idx.msk vm0, v4  }
0x1aa: {  	[tilespmem:s0], [sflag:$0x1] =	stream.linear.gather [hbm4b:s16+s2], $0x1780, $0x38;
	[tilespmem:$0x1E700] =	vst v63  }
0x1ab: {  	_ =	swait.ge [sflag:s22], $0x1780  }
0x1ac: {  	[sflag:s22] =	ssyncset.done $0x0  }
0x1ad: {  	s4 =	simm.s32 $0x4780;
	[sflag:s22] =	ssyncadd.s32 $0xFFFFE880  }
0x1ae: {  	[tilespmem:s4], [sflag:$0x1] =	stream.linear.gather [hbm4b:s17+s2], $0x1780, $0x38;
	[tilespmem:$0x1E700] =	vst v63  }
0x1af: {  	_ =	swait.ge [sflag:s22], $0x1780  }
0x1b0: {  	[sflag:s22] =	ssyncset.done $0x0  }
0x1b1: {  	[sflag:s22] =	ssyncadd.s32 $0xFFFFE880  }
0x1b2: {  	s1 =	simm.s32 $0x1780;
	s5 =	simm.s32 $0x1790;
	v3 =	vld [tilespmem:s4+$0x0]  }
.LBB2_30:
0x1b3: {  	p0 =	sne.s32 s5, $0x2EF0;
	v4 =	vld [tilespmem:s0+$0x0];
	_ =	sdelay $0x3  }
0x1b4: {  	v3 =	vmul.u32 $0x271, v3  }
0x1b5: {  	v4 =	vadd.s32 v0, v4  }
0x1b6: {  	v3 =	vadd.s32 v3, v4;
	v4 =	vmov s1  }
0x1b7: {  	vm0 =	vlt.u32 v3, $0x3000;
	vm1 =	vlt.u32 v4, $0x2EE0  }
0x1b8: {  	vm0 =	vmand vm1, vm0  }
0x1b9: {  	v3 =	vnsel vm0, $0x0, v3;
	_ =	sdelay $0x1  }
.Ltmp14:
0x1ba: {  	(pc) =	sbr.rel @p0 .LBB2_30-.Ltmp14, $4  }
0x1bb: {  	_ = 	snop  }
0x1bc: {  	s26 =	simm.s32 $0x0;
	v4 =	vor.u32 s1, v2;
	s1 =	smov.u32 s5  }
0x1bd: {  	s4 =	sadd.s32 $0x10, s4;
	[tilespmem:v3+s26+$0x0] =	vst.idx.msk vm0, v4  }
0x1be: {  	s0 =	sadd.s32 $0x10, s0;
	s5 =	sadd.s32 $0x10, s5;
	v3 =	vld [tilespmem:s4+$0x0]  }
0x1bf: {  	v4 =	vld [tilespmem:s0+$0x0];
	_ =	sdelay $0x3  }
0x1c0: {  	v3 =	vmul.u32 $0x271, v3  }
0x1c1: {  	v4 =	vadd.s32 v0, v4  }
0x1c2: {  	v62 =	vmov s1;
	v3 =	vadd.s32 v3, v4  }
0x1c3: {  	vm1 =	vlt.u32 v62, $0x2EE0;
	vm0 =	vlt.u32 v3, $0x3000  }
0x1c4: {  	vm0 =	vmand vm1, vm0  }
0x1c5: {  	v3 =	vnsel vm0, $0x0, v3;
	_ =	sdelay $0x3  }
0x1c6: {  	v63 =	vor.u32 s1, v2  }
0x1c7: {  	s28 =	simm.s32 $0x0;
	[tilespmem:v3+s26+$0x0] =	vst.idx.msk vm0, v63  }
.LBB2_32:
0x1c8: {  	s0 =	smul.u32 $0x17800, s28;
	_ =	sdelay $0x1  }
0x1c9: {  	s0 =	sshrl.u32 s0, $0x3  }
0x1ca: {  	s0 =	sadd.s32 s3, s0  }
0x1cb: {  	s1 =	smul.u32 $0x300000, s28;
	s0 =	sadd.s32 $0x2F000, s0  }
0x1cc: {  	[tilespmem:s23], [sflag:$0x1] =	stream.linear.gather [hbm4b:s0+s26], $0x17800, $0x38;
	[tilespmem:$0x1E700] =	vst v63  }
0x1cd: {  	s31 =	sshrl.u32 s1, $0x3;
	_ =	swait.ge [sflag:s22], $0x17800  }
0x1ce: {  	s0 =	sadd.s32 s9, s31;
	[sflag:s22] =	ssyncset.done $0x0  }
0x1cf: {  	s30 =	simm.s32 $0x0;
	s29 =	sadd.s32 $0x600000, s0;
	[sflag:s22] =	ssyncadd.s32 $0xFFFE8800  }
.LBB2_33:
0x1d0: {  	s0 =	simm.s32 $0x0  }
0x1d1: {  	s31 =	sshll.u32 s30, $0x9;
	s1 =	sand.u32 $0x180, s0  }
0x1d2: {  	s4 =	sand.u32 $0x70, s0;
	s1 =	sadd.s32 s1, s31  }
0x1d3: {  	s1 =	sadd.s32 s4, s1  }
0x1d4: {  	v3 =	vld [tilespmem:s1+$0x0];
	_ =	sdelay $0x4  }
0x1d5: {  	v4 =	vshll.u32 v3, $0x3  }
0x1d6: {  	v3 =	vand.u32 $0x7F, v3;
	v4 =	vand.u32 $0xFFFFFC00, v4  }
0x1d7: {  	v3 =	vor.u32 v3, v4;
	_ =	sdelay $0x4  }
0x1d8: {  	v4 =	vld.idx.msk [tilespmem:v3+s23+$0x0], $0xffff  }
0x1d9: {  	v5 =	vor.u32 $0x80, v3;
	_ =	sdelay $0x1  }
0x1da: {  	s8 =	sand.u32 $0xC00, s0  }
0x1db: {  	s1 =	sor.u32 s4, s8  }
0x1dc: {  	[tilespmem:s1+$0x1D700] =	vst v4  }
0x1dd: {  	v4 =	vld.idx.msk [tilespmem:v5+s23+$0x0], $0xffff  }
0x1de: {  	v5 =	vor.u32 $0x100, v3;
	_ =	sdelay $0x2  }
0x1df: {  	s4 =	sadd.s32 $0x1D700, s1  }
0x1e0: {  	[tilespmem:s4+$0x80] =	vst v4  }
0x1e1: {  	v4 =	vld.idx.msk [tilespmem:v5+s23+$0x0], $0xffff  }
0x1e2: {  	v5 =	vor.u32 $0x180, v3;
	_ =	sdelay $0x3  }
0x1e3: {  	[tilespmem:s4+$0x100] =	vst v4  }
0x1e4: {  	v4 =	vld.idx.msk [tilespmem:v5+s23+$0x0], $0xffff  }
0x1e5: {  	v5 =	vor.u32 $0x200, v3;
	_ =	sdelay $0x3  }
0x1e6: {  	[tilespmem:s4+$0x180] =	vst v4  }
0x1e7: {  	v4 =	vld.idx.msk [tilespmem:v5+s23+$0x0], $0xffff  }
0x1e8: {  	v5 =	vor.u32 $0x280, v3;
	_ =	sdelay $0x3  }
0x1e9: {  	[tilespmem:s4+$0x200] =	vst v4  }
0x1ea: {  	v4 =	vld.idx.msk [tilespmem:v5+s23+$0x0], $0xffff  }
0x1eb: {  	v5 =	vor.u32 $0x300, v3;
	_ =	sdelay $0x3  }
0x1ec: {  	[tilespmem:s4+$0x280] =	vst v4  }
0x1ed: {  	v4 =	vld.idx.msk [tilespmem:v5+s23+$0x0], $0xffff  }
0x1ee: {  	v3 =	vor.u32 $0x380, v3;
	_ =	sdelay $0x3  }
0x1ef: {  	[tilespmem:s4+$0x300] =	vst v4  }
0x1f0: {  	v3 =	vld.idx.msk [tilespmem:v3+s23+$0x0], $0xffff  }
0x1f1: {  	s1 =	simm.s32 $0x10  }
0x1f2: {  	s7 =	simm.s32 $0x20;
	s8 =	sor.u32 s0, s0;
	s10 =	sand.u32 $0x180, s1  }
0x1f3: {  	s8 =	sor.u32 $0x380, s8;
	s6 =	sand.u32 $0x70, s1;
	s5 =	sadd.s32 s10, s31  }
.LBB2_34:
0x1f4: {  	s10 =	sadd.s32 s6, s5  }
0x1f5: {  	[tilespmem:s8+$0x1D700] =	vst v3;
	s0 =	sadd.s32 $0x80, s0;
	s5 =	smov.u32 s7;
	s4 =	sadd.s32 $0x10, s7  }
0x1f6: {  	p0 =	sne.s32 s7, $0x1F0;
	v3 =	vld [tilespmem:s10+$0x0];
	_ =	sdelay $0x4  }
0x1f7: {  	v4 =	vshll.u32 v3, $0x3  }
0x1f8: {  	v3 =	vand.u32 $0x7F, v3;
	v4 =	vand.u32 $0xFFFFFC00, v4  }
0x1f9: {  	v3 =	vor.u32 v3, v4;
	_ =	sdelay $0x4  }
0x1fa: {  	v4 =	vld.idx.msk [tilespmem:v3+s23+$0x0], $0xffff;
	_ =	sdelay $0x1  }
0x1fb: {  	v5 =	vor.u32 $0x80, v3;
	_ =	sdelay $0x1  }
0x1fc: {  	s7 =	sand.u32 $0xC00, s0  }
0x1fd: {  	s6 =	sor.u32 s6, s7  }
0x1fe: {  	[tilespmem:s6+$0x1D700] =	vst v4  }
0x1ff: {  	v4 =	vld.idx.msk [tilespmem:v5+s23+$0x0], $0xffff;
	_ =	sdelay $0x1  }
0x200: {  	v5 =	vor.u32 $0x100, v3;
	_ =	sdelay $0x2  }
0x201: {  	s6 =	sadd.s32 $0x1D700, s6  }
0x202: {  	[tilespmem:s6+$0x80] =	vst v4  }
0x203: {  	v4 =	vld.idx.msk [tilespmem:v5+s23+$0x0], $0xffff;
	_ =	sdelay $0x1  }
0x204: {  	v5 =	vor.u32 $0x180, v3;
	_ =	sdelay $0x3  }
0x205: {  	[tilespmem:s6+$0x100] =	vst v4  }
0x206: {  	v4 =	vld.idx.msk [tilespmem:v5+s23+$0x0], $0xffff;
	_ =	sdelay $0x1  }
0x207: {  	v5 =	vor.u32 $0x200, v3;
	_ =	sdelay $0x3  }
0x208: {  	[tilespmem:s6+$0x180] =	vst v4  }
0x209: {  	v4 =	vld.idx.msk [tilespmem:v5+s23+$0x0], $0xffff;
	_ =	sdelay $0x1  }
0x20a: {  	v5 =	vor.u32 $0x280, v3;
	_ =	sdelay $0x3  }
0x20b: {  	[tilespmem:s6+$0x200] =	vst v4  }
0x20c: {  	v4 =	vld.idx.msk [tilespmem:v5+s23+$0x0], $0xffff;
	_ =	sdelay $0x1  }
0x20d: {  	v5 =	vor.u32 $0x300, v3;
	_ =	sdelay $0x3  }
0x20e: {  	[tilespmem:s6+$0x280] =	vst v4  }
0x20f: {  	v4 =	vld.idx.msk [tilespmem:v5+s23+$0x0], $0xffff;
	_ =	sdelay $0x1  }
0x210: {  	v3 =	vor.u32 $0x380, v3;
	_ =	sdelay $0x3  }
0x211: {  	[tilespmem:s6+$0x300] =	vst v4  }
0x212: {  	v3 =	vld.idx.msk [tilespmem:v3+s23+$0x0], $0xffff  }
.Ltmp15:
0x213: {  	(pc) =	sbr.rel @p0 .LBB2_34-.Ltmp15, $4  }
0x214: {  	_ = 	snop  }
0x215: {  	s8 =	sor.u32 s0, s1  }
0x216: {  	s1 =	smov.u32 s5;
	s7 =	sand.u32 $0x180, s5;
	s8 =	sor.u32 $0x380, s8  }
0x217: {  	s5 =	sadd.s32 s7, s31;
	s7 =	smov.u32 s4;
	s6 =	sand.u32 $0x70, s1  }
0x218: {  	s4 =	sadd.s32 s6, s5;
	[tilespmem:s8+$0x1D700] =	vst v3  }
0x219: {  	v3 =	vld [tilespmem:s4+$0x0];
	_ =	sdelay $0x4  }
0x21a: {  	v4 =	vshll.u32 v3, $0x3  }
0x21b: {  	v3 =	vand.u32 $0x7F, v3;
	v4 =	vand.u32 $0xFFFFFC00, v4  }
0x21c: {  	v3 =	vor.u32 v3, v4;
	_ =	sdelay $0x4  }
0x21d: {  	v4 =	vld.idx.msk [tilespmem:v3+s23+$0x0], $0xffff  }
0x21e: {  	v5 =	vor.u32 $0x80, v3  }
0x21f: {  	s0 =	sadd.s32 $0x80, s0  }
0x220: {  	s10 =	sand.u32 $0xC00, s0  }
0x221: {  	s4 =	sor.u32 s6, s10  }
0x222: {  	[tilespmem:s4+$0x1D700] =	vst v4  }
0x223: {  	v4 =	vld.idx.msk [tilespmem:v5+s23+$0x0], $0xffff  }
0x224: {  	v59 =	vor.u32 $0x100, v3;
	_ =	sdelay $0x2  }
0x225: {  	s4 =	sadd.s32 $0x1D700, s4  }
0x226: {  	[tilespmem:s4+$0x80] =	vst v4  }
0x227: {  	v4 =	vld.idx.msk [tilespmem:v59+s23+$0x0], $0xffff  }
0x228: {  	v60 =	vor.u32 $0x180, v3;
	_ =	sdelay $0x3  }
0x229: {  	[tilespmem:s4+$0x100] =	vst v4  }
0x22a: {  	v4 =	vld.idx.msk [tilespmem:v60+s23+$0x0], $0xffff  }
0x22b: {  	v61 =	vor.u32 $0x200, v3;
	_ =	sdelay $0x3  }
0x22c: {  	[tilespmem:s4+$0x180] =	vst v4  }
0x22d: {  	v4 =	vld.idx.msk [tilespmem:v61+s23+$0x0], $0xffff  }
0x22e: {  	v62 =	vor.u32 $0x280, v3;
	_ =	sdelay $0x3  }
0x22f: {  	[tilespmem:s4+$0x200] =	vst v4  }
0x230: {  	v4 =	vld.idx.msk [tilespmem:v62+s23+$0x0], $0xffff  }
0x231: {  	v63 =	vor.u32 $0x300, v3;
	_ =	sdelay $0x3  }
0x232: {  	[tilespmem:s4+$0x280] =	vst v4  }
0x233: {  	v4 =	vld.idx.msk [tilespmem:v63+s23+$0x0], $0xffff  }
0x234: {  	v3 =	vor.u32 $0x380, v3;
	_ =	sdelay $0x3  }
0x235: {  	[tilespmem:s4+$0x300] =	vst v4  }
0x236: {  	v3 =	vld.idx.msk [tilespmem:v3+s23+$0x0], $0xffff;
	_ =	sdelay $0x2  }
0x237: {  	s30 =	sadd.s32 $0x1, s30;
	s0 =	sor.u32 s0, s1  }
0x238: {  	p0 =	sne.s32 s30, $0x18;
	s0 =	sor.u32 $0x380, s0  }
.Ltmp16:
0x239: {  	s31 =	sadd.s32 s29, s31;
	[tilespmem:s0+$0x1D700] =	vst v3;
	(pc) =	sbr.rel @p0 .LBB2_33-.Ltmp16, $4  }
0x23a: {  	[hbm4b:s31+s2] =	stream.linear.scatter [tilespmem:s24], [sflag:$0x1], $0x1000, $0x38;
	[tilespmem:$0x1E700] =	vst v63  }
0x23b: {  	_ =	swait.ge [sflag:s22], $0x1000  }
0x23c: {  	[sflag:s22] =	ssyncset.done $0x0  }
0x23d: {  	[sflag:s22] =	ssyncadd.s32 $0xFFFFF000  }
0x23e: {  	s28 =	sadd.s32 $0x1, s28  }
0x23f: {  	p0 =	seq.s32 s28, $0x8  }
.Ltmp17:
0x240: {  	_ = 	snop;
	(pc) =	sbr.rel @!p0 .LBB2_32-.Ltmp17, $1  }
0x241: {  	_ =	sdelay $0x3  }
0x242: {  	s0 =	simm.s32 $0x40;
	s1 =	simm.s32 $0x0  }
.LBB2_38:
0x243: {  	p0 =	seq.s32 s0, $0xBFC0;
	[tilespmem:s1+$0x0] =	vst v1;
	s1 =	smov.u32 s0;
	s0 =	sadd.s32 $0x40, s0  }
.Ltmp18:
0x244: {  	(pc) =	sbr.rel @!p0 .LBB2_38-.Ltmp18, $2  }
0x245: {  	_ =	sdelay $0x2  }
0x246: {  	s1 =	sshra.s32 s1, $0x2  }
0x247: {  	[tilespmem:s1+$0x0] =	vst v1;
	s0 =	simm.s32 $0x0;
	s1 =	simm.s32 $0x3000  }
0x248: {  	[tilespmem:s1], [sflag:$0x1] =	stream.linear.gather [hbm4b:s18+s0], $0x1780, $0x38;
	[tilespmem:$0x1E700] =	vst v63  }
0x249: {  	_ =	swait.ge [sflag:s22], $0x1780  }
0x24a: {  	[sflag:s22] =	ssyncset.done $0x0  }
0x24b: {  	s4 =	simm.s32 $0x4780;
	[sflag:s22] =	ssyncadd.s32 $0xFFFFE880  }
0x24c: {  	[tilespmem:s4], [sflag:$0x1] =	stream.linear.gather [hbm4b:s19+s0], $0x1780, $0x38;
	[tilespmem:$0x1E700] =	vst v63  }
0x24d: {  	_ =	swait.ge [sflag:s22], $0x1780  }
0x24e: {  	[sflag:s22] =	ssyncset.done $0x0  }
0x24f: {  	[sflag:s22] =	ssyncadd.s32 $0xFFFFE880  }
0x250: {  	s5 =	simm.s32 $0x10;
	v3 =	vld [tilespmem:s4+$0x0]  }
.LBB2_40:
0x251: {  	p0 =	sne.s32 s5, $0x1770;
	v4 =	vld [tilespmem:s1+$0x0];
	_ =	sdelay $0x3  }
0x252: {  	v3 =	vmul.u32 $0x271, v3  }
0x253: {  	v4 =	vadd.s32 v0, v4  }
0x254: {  	v3 =	vadd.s32 v3, v4;
	v4 =	vmov s0  }
0x255: {  	vm0 =	vlt.u32 v3, $0x3000;
	vm1 =	vlt.u32 v4, $0x2EE0  }
0x256: {  	vm0 =	vmand vm1, vm0  }
0x257: {  	v3 =	vnsel vm0, $0x0, v3;
	_ =	sdelay $0x1  }
.Ltmp19:
0x258: {  	(pc) =	sbr.rel @p0 .LBB2_40-.Ltmp19, $4  }
0x259: {  	_ = 	snop  }
0x25a: {  	v4 =	vor.u32 s0, v2;
	s0 =	smov.u32 s5  }
0x25b: {  	s4 =	sadd.s32 $0x10, s4;
	[tilespmem:v3+s2+$0x0] =	vst.idx.msk vm0, v4  }
0x25c: {  	s1 =	sadd.s32 $0x10, s1;
	s5 =	sadd.s32 $0x10, s5;
	v3 =	vld [tilespmem:s4+$0x0]  }
0x25d: {  	v4 =	vld [tilespmem:s1+$0x0];
	_ =	sdelay $0x3  }
0x25e: {  	v3 =	vmul.u32 $0x271, v3  }
0x25f: {  	v4 =	vadd.s32 v0, v4  }
0x260: {  	v3 =	vadd.s32 v3, v4;
	v4 =	vmov s0  }
0x261: {  	vm0 =	vlt.u32 v3, $0x3000;
	vm1 =	vlt.u32 v4, $0x2EE0  }
0x262: {  	vm0 =	vmand vm1, vm0  }
0x263: {  	v3 =	vnsel vm0, $0x0, v3;
	_ =	sdelay $0x3  }
0x264: {  	v4 =	vor.u32 s0, v2  }
0x265: {  	s0 =	simm.s32 $0x3000;
	[tilespmem:v3+s2+$0x0] =	vst.idx.msk vm0, v4  }
0x266: {  	[tilespmem:s0], [sflag:$0x1] =	stream.linear.gather [hbm4b:s20+s2], $0x1780, $0x38;
	[tilespmem:$0x1E700] =	vst v63  }
0x267: {  	_ =	swait.ge [sflag:s22], $0x1780  }
0x268: {  	[sflag:s22] =	ssyncset.done $0x0  }
0x269: {  	s4 =	simm.s32 $0x4780;
	[sflag:s22] =	ssyncadd.s32 $0xFFFFE880  }
0x26a: {  	[tilespmem:s4], [sflag:$0x1] =	stream.linear.gather [hbm4b:s21+s2], $0x1780, $0x38;
	[tilespmem:$0x1E700] =	vst v63  }
0x26b: {  	_ =	swait.ge [sflag:s22], $0x1780  }
0x26c: {  	[sflag:s22] =	ssyncset.done $0x0  }
0x26d: {  	[sflag:s22] =	ssyncadd.s32 $0xFFFFE880  }
0x26e: {  	s1 =	simm.s32 $0x1780;
	s5 =	simm.s32 $0x1790;
	v3 =	vld [tilespmem:s4+$0x0]  }
.LBB2_42:
0x26f: {  	p0 =	sne.s32 s5, $0x2EF0;
	v4 =	vld [tilespmem:s0+$0x0];
	_ =	sdelay $0x3  }
0x270: {  	v3 =	vmul.u32 $0x271, v3  }
0x271: {  	v4 =	vadd.s32 v0, v4  }
0x272: {  	v3 =	vadd.s32 v3, v4;
	v4 =	vmov s1  }
0x273: {  	vm0 =	vlt.u32 v3, $0x3000;
	vm1 =	vlt.u32 v4, $0x2EE0  }
0x274: {  	vm0 =	vmand vm1, vm0  }
0x275: {  	v3 =	vnsel vm0, $0x0, v3;
	_ =	sdelay $0x1  }
.Ltmp20:
0x276: {  	(pc) =	sbr.rel @p0 .LBB2_42-.Ltmp20, $4  }
0x277: {  	_ = 	snop  }
0x278: {  	s26 =	simm.s32 $0x0;
	v4 =	vor.u32 s1, v2;
	s1 =	smov.u32 s5  }
0x279: {  	s4 =	sadd.s32 $0x10, s4;
	[tilespmem:v3+s26+$0x0] =	vst.idx.msk vm0, v4  }
0x27a: {  	s0 =	sadd.s32 $0x10, s0;
	s5 =	sadd.s32 $0x10, s5;
	v3 =	vld [tilespmem:s4+$0x0]  }
0x27b: {  	v4 =	vld [tilespmem:s0+$0x0];
	_ =	sdelay $0x3  }
0x27c: {  	v3 =	vmul.u32 $0x271, v3  }
0x27d: {  	v4 =	vadd.s32 v0, v4  }
0x27e: {  	v62 =	vmov s1;
	v3 =	vadd.s32 v3, v4  }
0x27f: {  	vm1 =	vlt.u32 v62, $0x2EE0;
	vm0 =	vlt.u32 v3, $0x3000  }
0x280: {  	vm0 =	vmand vm1, vm0  }
0x281: {  	v3 =	vnsel vm0, $0x0, v3;
	_ =	sdelay $0x3  }
0x282: {  	v63 =	vor.u32 s1, v2  }
0x283: {  	s28 =	simm.s32 $0x0;
	[tilespmem:v3+s26+$0x0] =	vst.idx.msk vm0, v63  }
.LBB2_44:
0x284: {  	s0 =	smul.u32 $0x17800, s28;
	_ =	sdelay $0x1  }
0x285: {  	s0 =	sshrl.u32 s0, $0x3  }
0x286: {  	s0 =	sadd.s32 s3, s0  }
0x287: {  	s1 =	smul.u32 $0x300000, s28;
	s0 =	sadd.s32 $0x46800, s0  }
0x288: {  	[tilespmem:s23], [sflag:$0x1] =	stream.linear.gather [hbm4b:s0+s26], $0x17800, $0x38;
	[tilespmem:$0x1E700] =	vst v63  }
0x289: {  	s31 =	sshrl.u32 s1, $0x3;
	_ =	swait.ge [sflag:s22], $0x17800  }
0x28a: {  	s0 =	sadd.s32 s9, s31;
	[sflag:s22] =	ssyncset.done $0x0  }
0x28b: {  	s30 =	simm.s32 $0x0;
	s29 =	sadd.s32 $0x900000, s0;
	[sflag:s22] =	ssyncadd.s32 $0xFFFE8800  }
.LBB2_45:
0x28c: {  	s0 =	simm.s32 $0x0  }
0x28d: {  	s31 =	sshll.u32 s30, $0x9;
	s1 =	sand.u32 $0x180, s0  }
0x28e: {  	s4 =	sand.u32 $0x70, s0;
	s1 =	sadd.s32 s1, s31  }
0x28f: {  	s1 =	sadd.s32 s4, s1  }
0x290: {  	v3 =	vld [tilespmem:s1+$0x0];
	_ =	sdelay $0x4  }
0x291: {  	v4 =	vshll.u32 v3, $0x3  }
0x292: {  	v3 =	vand.u32 $0x7F, v3;
	v4 =	vand.u32 $0xFFFFFC00, v4  }
0x293: {  	v3 =	vor.u32 v3, v4;
	_ =	sdelay $0x4  }
0x294: {  	v4 =	vld.idx.msk [tilespmem:v3+s23+$0x0], $0xffff  }
0x295: {  	v5 =	vor.u32 $0x80, v3;
	_ =	sdelay $0x1  }
0x296: {  	s8 =	sand.u32 $0xC00, s0  }
0x297: {  	s1 =	sor.u32 s4, s8  }
0x298: {  	[tilespmem:s1+$0x1D700] =	vst v4  }
0x299: {  	v4 =	vld.idx.msk [tilespmem:v5+s23+$0x0], $0xffff  }
0x29a: {  	v5 =	vor.u32 $0x100, v3;
	_ =	sdelay $0x2  }
0x29b: {  	s4 =	sadd.s32 $0x1D700, s1  }
0x29c: {  	[tilespmem:s4+$0x80] =	vst v4  }
0x29d: {  	v4 =	vld.idx.msk [tilespmem:v5+s23+$0x0], $0xffff  }
0x29e: {  	v5 =	vor.u32 $0x180, v3;
	_ =	sdelay $0x3  }
0x29f: {  	[tilespmem:s4+$0x100] =	vst v4  }
0x2a0: {  	v4 =	vld.idx.msk [tilespmem:v5+s23+$0x0], $0xffff  }
0x2a1: {  	v5 =	vor.u32 $0x200, v3;
	_ =	sdelay $0x3  }
0x2a2: {  	[tilespmem:s4+$0x180] =	vst v4  }
0x2a3: {  	v4 =	vld.idx.msk [tilespmem:v5+s23+$0x0], $0xffff  }
0x2a4: {  	v5 =	vor.u32 $0x280, v3;
	_ =	sdelay $0x3  }
0x2a5: {  	[tilespmem:s4+$0x200] =	vst v4  }
0x2a6: {  	v4 =	vld.idx.msk [tilespmem:v5+s23+$0x0], $0xffff  }
0x2a7: {  	v5 =	vor.u32 $0x300, v3;
	_ =	sdelay $0x3  }
0x2a8: {  	[tilespmem:s4+$0x280] =	vst v4  }
0x2a9: {  	v4 =	vld.idx.msk [tilespmem:v5+s23+$0x0], $0xffff  }
0x2aa: {  	v3 =	vor.u32 $0x380, v3;
	_ =	sdelay $0x3  }
0x2ab: {  	[tilespmem:s4+$0x300] =	vst v4  }
0x2ac: {  	v3 =	vld.idx.msk [tilespmem:v3+s23+$0x0], $0xffff  }
0x2ad: {  	s1 =	simm.s32 $0x10  }
0x2ae: {  	s7 =	simm.s32 $0x20;
	s8 =	sor.u32 s0, s0;
	s10 =	sand.u32 $0x180, s1  }
0x2af: {  	s8 =	sor.u32 $0x380, s8;
	s6 =	sand.u32 $0x70, s1;
	s5 =	sadd.s32 s10, s31  }
.LBB2_46:
0x2b0: {  	s10 =	sadd.s32 s6, s5  }
0x2b1: {  	[tilespmem:s8+$0x1D700] =	vst v3;
	s0 =	sadd.s32 $0x80, s0;
	s5 =	smov.u32 s7;
	s4 =	sadd.s32 $0x10, s7  }
0x2b2: {  	p0 =	sne.s32 s7, $0x1F0;
	v3 =	vld [tilespmem:s10+$0x0];
	_ =	sdelay $0x4  }
0x2b3: {  	v4 =	vshll.u32 v3, $0x3  }
0x2b4: {  	v3 =	vand.u32 $0x7F, v3;
	v4 =	vand.u32 $0xFFFFFC00, v4  }
0x2b5: {  	v3 =	vor.u32 v3, v4;
	_ =	sdelay $0x4  }
0x2b6: {  	v4 =	vld.idx.msk [tilespmem:v3+s23+$0x0], $0xffff;
	_ =	sdelay $0x1  }
0x2b7: {  	v5 =	vor.u32 $0x80, v3;
	_ =	sdelay $0x1  }
0x2b8: {  	s7 =	sand.u32 $0xC00, s0  }
0x2b9: {  	s6 =	sor.u32 s6, s7  }
0x2ba: {  	[tilespmem:s6+$0x1D700] =	vst v4  }
0x2bb: {  	v4 =	vld.idx.msk [tilespmem:v5+s23+$0x0], $0xffff;
	_ =	sdelay $0x1  }
0x2bc: {  	v5 =	vor.u32 $0x100, v3;
	_ =	sdelay $0x2  }
0x2bd: {  	s6 =	sadd.s32 $0x1D700, s6  }
0x2be: {  	[tilespmem:s6+$0x80] =	vst v4  }
0x2bf: {  	v4 =	vld.idx.msk [tilespmem:v5+s23+$0x0], $0xffff;
	_ =	sdelay $0x1  }
0x2c0: {  	v5 =	vor.u32 $0x180, v3;
	_ =	sdelay $0x3  }
0x2c1: {  	[tilespmem:s6+$0x100] =	vst v4  }
0x2c2: {  	v4 =	vld.idx.msk [tilespmem:v5+s23+$0x0], $0xffff;
	_ =	sdelay $0x1  }
0x2c3: {  	v5 =	vor.u32 $0x200, v3;
	_ =	sdelay $0x3  }
0x2c4: {  	[tilespmem:s6+$0x180] =	vst v4  }
0x2c5: {  	v4 =	vld.idx.msk [tilespmem:v5+s23+$0x0], $0xffff;
	_ =	sdelay $0x1  }
0x2c6: {  	v5 =	vor.u32 $0x280, v3;
	_ =	sdelay $0x3  }
0x2c7: {  	[tilespmem:s6+$0x200] =	vst v4  }
0x2c8: {  	v4 =	vld.idx.msk [tilespmem:v5+s23+$0x0], $0xffff;
	_ =	sdelay $0x1  }
0x2c9: {  	v5 =	vor.u32 $0x300, v3;
	_ =	sdelay $0x3  }
0x2ca: {  	[tilespmem:s6+$0x280] =	vst v4  }
0x2cb: {  	v4 =	vld.idx.msk [tilespmem:v5+s23+$0x0], $0xffff;
	_ =	sdelay $0x1  }
0x2cc: {  	v3 =	vor.u32 $0x380, v3;
	_ =	sdelay $0x3  }
0x2cd: {  	[tilespmem:s6+$0x300] =	vst v4  }
0x2ce: {  	v3 =	vld.idx.msk [tilespmem:v3+s23+$0x0], $0xffff  }
.Ltmp21:
0x2cf: {  	(pc) =	sbr.rel @p0 .LBB2_46-.Ltmp21, $4  }
0x2d0: {  	_ = 	snop  }
0x2d1: {  	s8 =	sor.u32 s0, s1  }
0x2d2: {  	s1 =	smov.u32 s5;
	s7 =	sand.u32 $0x180, s5;
	s8 =	sor.u32 $0x380, s8  }
0x2d3: {  	s5 =	sadd.s32 s7, s31;
	s7 =	smov.u32 s4;
	s6 =	sand.u32 $0x70, s1  }
0x2d4: {  	s4 =	sadd.s32 s6, s5;
	[tilespmem:s8+$0x1D700] =	vst v3  }
0x2d5: {  	v3 =	vld [tilespmem:s4+$0x0];
	_ =	sdelay $0x4  }
0x2d6: {  	v4 =	vshll.u32 v3, $0x3  }
0x2d7: {  	v3 =	vand.u32 $0x7F, v3;
	v4 =	vand.u32 $0xFFFFFC00, v4  }
0x2d8: {  	v3 =	vor.u32 v3, v4;
	_ =	sdelay $0x4  }
0x2d9: {  	v4 =	vld.idx.msk [tilespmem:v3+s23+$0x0], $0xffff  }
0x2da: {  	v5 =	vor.u32 $0x80, v3  }
0x2db: {  	s0 =	sadd.s32 $0x80, s0  }
0x2dc: {  	s10 =	sand.u32 $0xC00, s0  }
0x2dd: {  	s4 =	sor.u32 s6, s10  }
0x2de: {  	[tilespmem:s4+$0x1D700] =	vst v4  }
0x2df: {  	v4 =	vld.idx.msk [tilespmem:v5+s23+$0x0], $0xffff  }
0x2e0: {  	v59 =	vor.u32 $0x100, v3;
	_ =	sdelay $0x2  }
0x2e1: {  	s4 =	sadd.s32 $0x1D700, s4  }
0x2e2: {  	[tilespmem:s4+$0x80] =	vst v4  }
0x2e3: {  	v4 =	vld.idx.msk [tilespmem:v59+s23+$0x0], $0xffff  }
0x2e4: {  	v60 =	vor.u32 $0x180, v3;
	_ =	sdelay $0x3  }
0x2e5: {  	[tilespmem:s4+$0x100] =	vst v4  }
0x2e6: {  	v4 =	vld.idx.msk [tilespmem:v60+s23+$0x0], $0xffff  }
0x2e7: {  	v61 =	vor.u32 $0x200, v3;
	_ =	sdelay $0x3  }
0x2e8: {  	[tilespmem:s4+$0x180] =	vst v4  }
0x2e9: {  	v4 =	vld.idx.msk [tilespmem:v61+s23+$0x0], $0xffff  }
0x2ea: {  	v62 =	vor.u32 $0x280, v3;
	_ =	sdelay $0x3  }
0x2eb: {  	[tilespmem:s4+$0x200] =	vst v4  }
0x2ec: {  	v4 =	vld.idx.msk [tilespmem:v62+s23+$0x0], $0xffff  }
0x2ed: {  	v63 =	vor.u32 $0x300, v3;
	_ =	sdelay $0x3  }
0x2ee: {  	[tilespmem:s4+$0x280] =	vst v4  }
0x2ef: {  	v4 =	vld.idx.msk [tilespmem:v63+s23+$0x0], $0xffff  }
0x2f0: {  	v3 =	vor.u32 $0x380, v3;
	_ =	sdelay $0x3  }
0x2f1: {  	[tilespmem:s4+$0x300] =	vst v4  }
0x2f2: {  	v3 =	vld.idx.msk [tilespmem:v3+s23+$0x0], $0xffff;
	_ =	sdelay $0x2  }
0x2f3: {  	s30 =	sadd.s32 $0x1, s30;
	s0 =	sor.u32 s0, s1  }
0x2f4: {  	p0 =	sne.s32 s30, $0x18;
	s0 =	sor.u32 $0x380, s0  }
.Ltmp22:
0x2f5: {  	s31 =	sadd.s32 s29, s31;
	[tilespmem:s0+$0x1D700] =	vst v3;
	(pc) =	sbr.rel @p0 .LBB2_45-.Ltmp22, $4  }
0x2f6: {  	[hbm4b:s31+s2] =	stream.linear.scatter [tilespmem:s24], [sflag:$0x1], $0x1000, $0x38;
	[tilespmem:$0x1E700] =	vst v63  }
0x2f7: {  	_ =	swait.ge [sflag:s22], $0x1000  }
0x2f8: {  	[sflag:s22] =	ssyncset.done $0x0  }
0x2f9: {  	[sflag:s22] =	ssyncadd.s32 $0xFFFFF000  }
0x2fa: {  	s28 =	sadd.s32 $0x1, s28  }
0x2fb: {  	p0 =	sne.s32 s28, $0x8  }
.Ltmp23:
0x2fc: {  	_ = 	snop;
	(pc) =	sbr.rel @p0 .LBB2_44-.Ltmp23, $1  }
0x2fd: {  	_ =	sdelay $0x3  }
0x2fe: {  	s25 =	sadd.s32 $0x1, s25;
	s0 =	rddreg [dreg:$0x5]  }
0x2ff: {  	p0 =	sne.s32 s25, s0  }
.Ltmp24:
0x300: {  	_ = 	snop;
	(pc) =	sbr.rel @p0 .LBB2_1-.Ltmp24, $1  }
0x301: {  	_ =	sdelay $0x3  }
0x302: {  	_ =	sfence.sel $0x180000  }
0x303: {  	[bflag:$0x0] =	sbarrier.arrive $0xFFFF  }
0x304: {  	_ =	strace $0x90000047  }
0x305: {  	s0 =	stileid.u32;
	[bflag:$0x2] =	sbarrier.arrive $0xFFFF  }
0x306: {  	p0 =	sne.s32 s0, $0x0;
	s0 =	rddreg [dreg:$0x2]  }
0x307: {  	s0 =	sadd.s32 @!p0 $0x100000, s0  }
0x308: {  	[sflag:s0] =	ssyncadd.tile.s32 @!p0 $0x1;
	_ =	shalt  }
.Lfunc_end2:
_tile_overlayer_lowered:
.L_overlay_start_2:
0x309: {  	(tag) =	ssettag $0x2  }
0x30a: {  	s0 =	rddreg [dreg:$0x0];
	s2 =	stileid.u32  }
0x30b: {  	s1 =	rddreg [dreg:$0x1];
	p0 =	sne.s32 s2, $0x0  }
0x30c: {  	s3 =	rddreg [dreg:$0x2];
	[bflag:$0x3] =	sbarrier.arrive $0xFFFF;
	s2 =	simm.s32 @!p0 $0x1C01  }
0x30d: {  	[timem:s3], [sflag:s2] =	dma.local @!p0 [hbm:s0], s1  }
0x30e: {  	s0 =	simm.s32 @!p0 $0x1  }
0x30f: {  	_ =	swait.ge @!p0 [sflag:s0], s1  }
0x310: {  	s1 =	ssub.s32 @!p0 $0x0, s1;
	[sflag:s0] =	ssyncset.done @!p0 $0x0  }
0x311: {  	[sflag:s0] =	ssyncadd.s32 @!p0 s1  }
0x312: {  	[bflag:$0x3] =	sbarrier.arrive $0xFFFF  }
0x313: {  	_ =	shalt  }

// kernel: sparse-core-data-format-call.cloned.1.call-start
scs
called_computation_lowered:
.L_overlay_start_0:
0x0: {  	s2 =	sld [smem:$0x3FD9]  }
0x1: {  	s3 =	sld [smem:$0x3FFE];
	_ =	sdelay $0x1  }
0x2: {  	s1 =	srdreg.scid  }
0x3: {  	s0 =	sand.u32 $0x1, s1  }
0x4: {  	s18 =	sshll.u32 s0, $0xA;
	s2 =	sadd.s32 s3, s2  }
0x5: {  	s2 =	sadd.s32 s2, s18  }
0x6: {  	[smem:$0x3FC6] =	sst s2  }
0x7: {  	_ = 	snop  }
0x8: {  	s2 =	sld [smem:$0x3FD0];
	(tm) =	ssettm $0x1  }
0x9: {  	s19 =	sld [smem:$0x3FFB];
	_ =	sdelay $0x3  }
0xa: {  	_ =	strace s19  }
0xb: {  	s3 =	sld [smem:$0x3FFC];
	_ =	sdelay $0x3  }
0xc: {  	_ =	strace s3  }
0xd: {  	s3 =	sld [smem:$0x3FFD];
	_ =	sdelay $0x3  }
0xe: {  	_ =	strace s3  }
0xf: {  	_ =	strace $0x8FFFFFFF  }
0x10: {  	s20 =	sld [smem:$0x3FDB];
	_ =	sdelay $0x1  }
0x11: {  	s4 =	simm.s32 $_scs_section_size  }
0x12: {  	s5 =	simm.s32 $_size__tile_overlayer_lowered;
	s6 =	simm.s32 $_tile_overlayer_lowered  }
0x13: {  	s23 =	simm.s32 $0x1BFF;
	s22 =	sshll.u32 s6, $0x1;
	s3 =	sadd.s32 s4, s20  }
0x14: {  	s7 =	simm.s32 $0x0;
	s21 =	sshll.u32 s5, $0x1;
	s5 =	sadd.s32 s22, s3  }
0x15: {  	[timem:s7], [sflag:s23] =	dma.local [hbm:s5], s21  }
0x16: {  	_ =	swait.ge [sflag:s23], s21  }
0x17: {  	s4 =	ssub.s32 $0x0, s21;
	[sflag:s23] =	ssyncset.done $0x0  }
0x18: {  	[sflag:s23] =	ssyncadd.s32 s4;
	_ =	sdelay $0x1  }
0x19: {  	s24 =	simm.s32 $0x1B8B  }
0x1a: {  	_ =	swait.ge [sflag:s24], $0x1  }
0x1b: {  	[sflag:s24] =	ssyncset.done $0x0  }
0x1c: {  	s26 =	simm.s32 $0x1B8E;
	s25 =	sld [smem:$0x3FFE];
	[sflag:s24] =	ssyncadd.s32 $0xFFFFFFFF  }
0x1d: {  	s27 =	simm.s32 $execute0_lowered;
	[smem:$0x3FD2] =	sst s26  }
0x1e: {  	s5 =	sshll.u32 s27, $0x1;
	_ =	strace $0x80000049;
	[dreg:$0x1] =	wrdreg $0xFFFFFFFF  }
0x1f: {  	s28 =	simm.s32 $_size_execute0_lowered;
	s3 =	sadd.s32 s3, s5;
	[dreg:$0x0] =	wrdreg $0x0  }
0x20: {  	s5 =	sshll.u32 s28, $0x1;
	[dreg:$0x2] =	wrdreg s3  }
0x21: {  	[dreg:$0x3] =	wrdreg s5  }
0x22: {  	[dreg:$0x4] =	wrdreg $0xC0  }
0x23: {  	_ =	task [dreg:s7], $0x5FFFF  }
0x24: {  	[dreg:$0x1] =	wrdreg $0xFFFFFFFF  }
0x25: {  	[dreg:$0x0] =	wrdreg $0x60  }
0x26: {  	[dreg:$0x2] =	wrdreg s25  }
0x27: {  	[dreg:$0x3] =	wrdreg s2  }
0x28: {  	[dreg:$0x4] =	wrdreg $0x9  }
0x29: {  	_ =	task.clear_ibuf [dreg:s7], $0x5FFFF;
	_ =	strace $0x90000049  }
0x2a: {  	s29 =	simm.s32 $0x9;
	_ =	strace $0x8000004B  }
0x2b: {  	_ =	swait.ge [sflag:s29], $0x1  }
0x2c: {  	[sflag:s29] =	ssyncadd.s32 $0xFFFFFFFF  }
0x2d: {  	_ =	strace $0x9000004B  }
0x2e: {  	_ =	sfence  }
0x2f: {  	s30 =	sld [smem:$0x0];
	_ =	sdelay $0x2  }
0x30: {  	s31 =	sshll.u32 s1, $0xD;
	s1 =	sshrl.u32 s1, $0x2  }
0x31: {  	s3 =	sand.u32 $0x4000, s31;
	s1 =	sadd.s32 s1, s30  }
0x32: {  	s0 =	sor.u32 s3, s0;
	s1 =	sshll.u32 s1, $0x11  }
0x33: {  	s0 =	sor.u32 s1, s0  }
0x34: {  	s0 =	sadd.s32 $0x8F2B, s0  }
0x35: {  	[sflag:s0] =	ssyncadd.remote.s32 $0x1  }
0x36: {  	_ =	sfence.sel $0xFFFF  }
0x37: {  	[dreg:$0x0] =	wrdreg $0xFFFFFFFF;
	(pc) =	sbr.abs _section_cstart, $3  }
0x38: {  	[dreg:$0x1] =	wrdreg $0xFFFFFFFF  }
0x39: {  	_ =	task.clear_ibuf [dreg:s7], $0x2FFFF;
	_ =	strace $0x9FFFFFFF  }
0x3a: {  	(tm) =	ssettm $0x7FFFFFFF  }
0x3b: {  	_ =	shalt  }
tec
execute0_lowered:
.L_overlay_start_1:
0x0: {  	(tag) =	ssettag $0x1  }
0x1: {  	s1 =	srdreg.scid  }
0x2: {  	s0 =	stileid.u32;
	s4 =	rddreg [dreg:$0x0]  }
0x3: {  	s2 =	rddreg [dreg:$0x1];
	s7 =	simm.s32 $0x2;
	s19 =	simm.s32 $0x0  }
0x4: {  	s9 =	simm.s32 $0x1400;
	s21 =	simm.s32 $0x0;
	s20 =	simm.s32 $0x0  }
0x5: {  	s22 =	simm.s32 $0x0;
	s10 =	simm.s32 $0x0;
	s1 =	sshll.u32 s1, $0x4  }
0x6: {  	s11 =	simm.s32 $0x0;
	s12 =	simm.s32 $0x0;
	s1 =	sor.u32 s0, s1  }
0x7: {  	s14 =	simm.s32 $0x0;
	s13 =	simm.s32 $0x0;
	s1 =	sshrl.u32 s1, $0x1  }
0x8: {  	s16 =	simm.s32 $0x0;
	s18 =	simm.s32 $0x0;
	s3 =	sand.u32 $0xE, s1  }
.Ltmp0:
0x9: {  	s1 =	rddreg [dreg:$0x2];
	s5 =	ssub.s32 $0x270, s3;
	(pc) =	sbr.rel .LBB1_1-.Ltmp0, $4  }
0xa: {  	_ =	strace $0x8000004A;
	s6 =	sshrl.u32 s5, $0x4;
	s5 =	simm.s32 $0x1  }
0xb: {  	s4 =	sadd.s32 $0xBECA00, s4;
	s8 =	smul.u32 $0x5, s6;
	[sflag:s5] =	ssyncpa.u1 $0x0  }
0xc: {  	s15 =	smov.u32 s3;
	s6 =	sand.u32 $0x3, s0;
	[sflag:s7] =	ssyncpa.u1 $0x0  }
0xd: {  	s17 =	smov.u32 s6;
	s7 =	sadd.s32 $0x5, s8;
	s8 =	sadd.s32 $0x6, s8  }
.LBB1_7:
0xe: {  	p0 =	slt.u32 s18, $0x2  }
0xf: {  	s23 =	smov.u32 s22;
	s25 =	smov.u32 s16;
	s26 =	smov.u32 s17  }
0x10: {  	p1 =	sgt.s32 @!p0 s22, $0x3;
	s24 =	sshra.s32 @!p0 s22, $0x1F;
	p2 =	sgt.s32 @!p0 s19, $0x200  }
0x11: {  	s27 =	simm.s32 @!p0 $0x2;
	p1 =	por !p1, p0;
	s22 =	sand.u32 @!p0 s24, s22  }
0x12: {  	s24 =	sshra.s32 @!p0 s21, $0x1F;
	s23 =	simm.s32 @p1 $0x3;
	p1 =	sgt.s32 @!p0 s21, $0x26F  }
0x13: {  	s22 =	ssub.s32 @!p0 s23, s22;
	p1 =	por !p1, p0;
	s23 =	smov.u32 s21  }
0x14: {  	s21 =	sand.u32 @!p0 s24, s21;
	s24 =	sadd.s32 @!p0 $0xFFFFFFFD, s22;
	s23 =	simm.s32 @p1 $0x26F  }
0x15: {  	p2 =	por !p2, p0;
	p1 =	sgt.s32 @!p0 s24, $0x0;
	s21 =	ssub.s32 @!p0 s23, s21  }
0x16: {  	s22 =	ssub.s32 @!p0 $0x4, s22;
	p1 =	por !p1, p0;
	s23 =	sadd.s32 @!p0 $0xFFFFFD91, s21  }
0x17: {  	s24 =	sshra.s32 @!p0 s19, $0x1F;
	s22 =	simm.s32 @!p1 $0x0;
	p1 =	sgt.s32 @!p0 s23, $0x1  }
0x18: {  	s21 =	ssub.s32 @!p0 $0x271, s21;
	s23 =	ssub.s32 @!p0 $0x0, s20;
	p1 =	por !p1, p0  }
0x19: {  	s20 =	smin.u32 @!p0 s20, s23;
	s23 =	smov.u32 s19;
	s19 =	sand.u32 @!p0 s24, s19  }
0x1a: {  	s24 =	smov.u32 s15;
	s23 =	simm.s32 @p2 $0x200;
	p2 =	sgt.s32 @!p0 s20, $0x3F  }
0x1b: {  	s20 =	ssub.s32 @!p0 $0x40, s20;
	p2 =	por !p2, p0;
	s19 =	ssub.s32 @!p0 s23, s19  }
0x1c: {  	s21 =	simm.s32 @!p1 $0x0;
	s20 =	simm.s32 @!p2 $0x0;
	s23 =	sadd.s32 @!p0 $0xFFFFFE00, s19  }
0x1d: {  	p1 =	sgt.s32 @!p0 s23, $0x7F;
	s20 =	smul.u32 @!p0 s22, s20;
	s23 =	sadd.s32 $0x80, s13  }
0x1e: {  	s19 =	ssub.s32 @!p0 $0x280, s19;
	s22 =	sadd.s32 $0x10, s15;
	p2 =	sgt.s32 s23, $0x270  }
0x1f: {  	p1 =	por !p1, p0;
	s20 =	smul.u32 @!p0 s21, s20;
	s24 =	smov.u32 @p2 s22  }
0x20: {  	s19 =	simm.s32 @!p1 $0x0;
	s21 =	sadd.s32 $0x40, s16;
	p1 =	sgt.s32 s24, $0x270  }
0x21: {  	s23 =	simm.s32 @p2 $0x0;
	s22 =	smov.u32 s14;
	s25 =	smov.u32 @p1 s21  }
0x22: {  	s19 =	smul.u32 @!p0 s19, s20;
	s20 =	sadd.s32 $0x4, s17;
	p2 =	sgt.s32 s25, $0x3F  }
0x23: {  	s14 =	smov.u32 s17;
	s24 =	smov.u32 @p1 s3;
	s26 =	smov.u32 @p2 s20  }
0x24: {  	s21 =	smov.u32 s11;
	s11 =	smov.u32 s15;
	p1 =	sgt.s32 s26, $0x3  }
0x25: {  	s15 =	smov.u32 s24;
	s26 =	smov.u32 @p1 s6;
	p1 =	sne.s32 s18, s8  }
.Ltmp1:
0x26: {  	s19 =	sand.u32 @!p0 $0x3FFFFFFF, s19;
	s25 =	simm.s32 @p2 $0x0;
	(pc) =	sbr.rel @!p1 .LBB1_8-.Ltmp1, $4  }
0x27: {  	s20 =	smov.u32 s12;
	s12 =	smov.u32 s16;
	_ =	swait.ge @!p0 [sflag:s27], s19  }
0x28: {  	s28 =	ssub.s32 @!p0 $0x0, s19;
	s19 =	smov.u32 s10;
	s10 =	smov.u32 s13  }
0x29: {  	s13 =	smov.u32 s23;
	s16 =	smov.u32 s25;
	[sflag:s27] =	ssyncset.done @!p0 $0x0  }
0x2a: {  	s18 =	sadd.s32 $0x1, s18;
	[sflag:s27] =	ssyncadd.s32 @!p0 s28;
	s17 =	smov.u32 s26  }
.LBB1_1:
0x2b: {  	p0 =	sge.u32 s18, s7  }
0x2c: {  	s23 =	sshrl.u32 @!p0 s15, $0x3  }
0x2d: {  	s24 =	sshll.u32 @!p0 s13, $0x3;
	s23 =	smul.u32 @!p0 $0x1400, s23  }
0x2e: {  	s25 =	sshll.u32 @!p0 s15, $0x7;
	s24 =	sand.u32 @!p0 $0xFFFFFC00, s24  }
0x2f: {  	s23 =	sadd.s32 @!p0 s23, s24;
	s24 =	sand.u32 @!p0 $0x380, s25  }
0x30: {  	s25 =	sand.u32 @!p0 $0x7F, s13;
	s23 =	sor.u32 @!p0 s24, s23  }
0x31: {  	s24 =	sor.u32 @!p0 s25, s23;
	s23 =	smulhi.u32 @!p0 $0xCCCCCCCD, s23;
	_ =	sdelay $0x1  }
0x32: {  	s25 =	smulhi.u32 @!p0 $0xCCCCCCCD, s24;
	s23 =	sshrl.u32 @!p0 s23, $0x9  }
0x33: {  	s26 =	smulhi.u32 @!p0 $0x67B23B, s23  }
0x34: {  	s28 =	smul.u32 @!p0 $0x316000, s17  }
0x35: {  	s25 =	sshrl.u32 @!p0 s25, $0x9;
	s26 =	smul.u32 @!p0 $0x278, s26  }
0x36: {  	s27 =	sxor.u32 @!p0 $0xFFFFFFFF, s18;
	s25 =	smul.u32 @!p0 $0x280, s25  }
0x37: {  	s27 =	sshll.u32 @!p0 s27, $0xE;
	s23 =	ssub.s32 @!p0 s23, s26;
	s26 =	smul.u32 @!p0 $0xC580, s16  }
0x38: {  	s24 =	ssub.s32 @!p0 s24, s25;
	s25 =	sadd.s32 @!p0 s4, s28;
	s23 =	smul.u32 @!p0 $0x50, s23  }
0x39: {  	s27 =	sand.u32 @!p0 $0x4000, s27;
	s25 =	sadd.s32 @!p0 s26, s25;
	s26 =	sand.u32 @!p0 $0x7, s24  }
0x3a: {  	s24 =	sshrl.u32 @!p0 s24, $0x3;
	s23 =	sadd.s32 @!p0 s23, s25;
	s25 =	sshll.u32 @!p0 s26, $0x12  }
0x3b: {  	s23 =	sadd.s32 @!p0 s24, s23;
	s24 =	sor.u32 @!p0 $0x100, s25;
	s25 =	simm.s32 @!p0 $0x62C00  }
0x3c: {  	[tilespmem:s27], [sflag:$0x1] =	stream.strided.gather @!p0 [hbm4b:s23+s24], $0x4000, s25, s24, $0x38;
	[tilespmem:$0x10000] =	vst v63  }
0x3d: {  	p0 =	seq.s32 s18, $0x0  }
0x3e: {  	p1 =	sge.u32 @!p0 s18, s8  }
0x3f: {  	p0 =	por p0, p1  }
.Ltmp2:
0x40: {  	_ = 	snop;
	(pc) =	sbr.rel @p0 .LBB1_7-.Ltmp2, $1  }
0x41: {  	_ =	sdelay $0x3  }
0x42: {  	_ =	swait.ge [sflag:s5], $0x4000;
	s23 =	sshll.u32 s18, $0xE  }
0x43: {  	[sflag:s5] =	ssyncset.done $0x0;
	s24 =	sand.u32 $0x4000, s23  }
0x44: {  	s25 =	simm.s32 $0x0;
	[sflag:s5] =	ssyncadd.s32 $0xFFFFC000;
	s23 =	sor.u32 $0x8000, s24  }
.LBB1_3:
0x45: {  	s26 =	sshll.u32 s25, $0x8  }
0x46: {  	s26 =	sand.u32 $0x3FFFFF00, s26  }
0x47: {  	s27 =	sshll.u32 s25, $0x7;
	s26 =	sadd.s32 s26, s24  }
0x48: {  	s27 =	sand.u32 $0x3FFFFF80, s27;
	v0 =	vmov s26  }
0x49: {  	s27 =	sadd.s32 s27, s23  }
0x4a: {  	p0 =	por $0x1, $0x1;
	v1 =	vmov s27;
	s26 =	simm.s32 $0x0  }
.LBB1_4:
0x4b: {  	s27 =	sshll.u32 s26, $0x7  }
0x4c: {  	s27 =	sand.u32 $0x3FFFFF80, s27  }
0x4d: {  	v2 =	vld.idx.msk [tilespmem:v0+s27+$0x0 ss:$0x1], $0xffff  }
0x4e: {  	v3 =	vld.idx.msk [tilespmem:v0+s27+$0x10 ss:$0x1], $0xffff  }
0x4f: {  	v4 =	vld.idx.msk [tilespmem:v0+s27+$0x20 ss:$0x1], $0xffff  }
0x50: {  	s31 =	sshll.u32 s26, $0xD;
	v5 =	vld.idx.msk [tilespmem:v0+s27+$0x30 ss:$0x1], $0xffff  }
0x51: {  	s26 =	sand.u32 $0x3FFFE000, s31;
	v6 =	vld.idx.msk [tilespmem:v0+s27+$0x40 ss:$0x1], $0xffff  }
0x52: {  	v63 =	vld.idx.msk [tilespmem:v0+s27+$0x70 ss:$0x1], $0xffff;
	[tilespmem:v1+s26+$0x0 ss:$0x1] =	vst.idx.msk $0xffff, v2  }
0x53: {  	v2 =	vld.idx.msk [tilespmem:v0+s27+$0x50 ss:$0x1], $0xffff;
	[tilespmem:v1+s26+$0x10 ss:$0x1] =	vst.idx.msk $0xffff, v3  }
0x54: {  	p1 =	por p0, p0;
	v3 =	vld.idx.msk [tilespmem:v0+s27+$0x60 ss:$0x1], $0xffff;
	[tilespmem:v1+s26+$0x20 ss:$0x1] =	vst.idx.msk $0xffff, v4  }
.Ltmp3:
0x55: {  	[tilespmem:v1+s26+$0x30 ss:$0x1] =	vst.idx.msk $0xffff, v5;
	(pc) =	sbr.rel @p1 .LBB1_4-.Ltmp3, $4  }
0x56: {  	[tilespmem:v1+s26+$0x40 ss:$0x1] =	vst.idx.msk $0xffff, v6  }
0x57: {  	[tilespmem:v1+s26+$0x70 ss:$0x1] =	vst.idx.msk $0xffff, v63  }
0x58: {  	[tilespmem:v1+s26+$0x50 ss:$0x1] =	vst.idx.msk $0xffff, v2  }
0x59: {  	p0 =	por $0x0, $0x0;
	[tilespmem:v1+s26+$0x60 ss:$0x1] =	vst.idx.msk $0xffff, v3;
	s26 =	simm.s32 $0x1  }
0x5a: {  	s25 =	sadd.s32 $0x1, s25  }
0x5b: {  	p0 =	sne.s32 s25, $0x40  }
.Ltmp4:
0x5c: {  	_ = 	snop;
	(pc) =	sbr.rel @p0 .LBB1_3-.Ltmp4, $1  }
0x5d: {  	_ =	sdelay $0x3  }
0x5e: {  	s24 =	sshrl.u32 s12, $0x3;
	s25 =	sshll.u32 s10, $0x3;
	s26 =	sshll.u32 s12, $0x7  }
0x5f: {  	s30 =	sand.u32 $0x7F, s10;
	p0 =	sgt.s32 s14, $0x3;
	s27 =	smov.u32 s14  }
0x60: {  	s28 =	sshra.s32 s14, $0x1F;
	s31 =	ssub.s32 $0x0, s12;
	s24 =	smul.u32 $0x1400, s24  }
0x61: {  	s25 =	sand.u32 $0xFFFFFC00, s25;
	s29 =	sand.u32 $0x380, s26;
	s27 =	simm.s32 @!p0 $0x3  }
0x62: {  	s28 =	sand.u32 s28, s14;
	p0 =	sgt.s32 s11, $0x26F;
	s24 =	sadd.s32 s24, s25  }
0x63: {  	s27 =	ssub.s32 s27, s28;
	s28 =	smov.u32 s11;
	s24 =	sor.u32 s29, s24  }
0x64: {  	s28 =	simm.s32 @!p0 $0x26F;
	s29 =	sshra.s32 s11, $0x1F;
	s25 =	sor.u32 s30, s24  }
0x65: {  	s30 =	sadd.s32 $0xFFFFFFFD, s27;
	s29 =	sand.u32 s29, s11;
	s24 =	smulhi.u32 $0xCCCCCCCD, s24  }
0x66: {  	s27 =	ssub.s32 $0x4, s27;
	s26 =	smulhi.u32 $0xCCCCCCCD, s25;
	p0 =	sgt.s32 s30, $0x0  }
0x67: {  	s28 =	ssub.s32 s28, s29;
	s30 =	smin.u32 s12, s31;
	s31 =	sshra.s32 s10, $0x1F  }
0x68: {  	s27 =	simm.s32 @p0 $0x0;
	s29 =	sadd.s32 $0xFFFFFD91, s28;
	s28 =	ssub.s32 $0x271, s28  }
0x69: {  	s24 =	sshrl.u32 s24, $0x9;
	s26 =	sshrl.u32 s26, $0x9;
	p0 =	sgt.s32 s29, $0x1  }
0x6a: {  	s29 =	ssub.s32 $0x40, s30;
	s24 =	sand.u32 $0x3F, s24;
	s26 =	smul.u32 $0x280, s26  }
0x6b: {  	s28 =	simm.s32 @p0 $0x0;
	p0 =	sgt.s32 s30, $0x3F;
	s30 =	smov.u32 s10  }
0x6c: {  	s24 =	smul.u32 $0x50, s24;
	s29 =	simm.s32 @p0 $0x0;
	p0 =	sgt.s32 s10, $0x200  }
0x6d: {  	s27 =	smul.u32 s27, s29;
	s30 =	simm.s32 @!p0 $0x200;
	s29 =	sand.u32 s31, s10  }
0x6e: {  	s25 =	ssub.s32 s25, s26;
	s31 =	smul.u32 $0x30D400, s14;
	s26 =	ssub.s32 s30, s29  }
0x6f: {  	s27 =	smul.u32 s28, s27;
	s30 =	sadd.s32 $0xFFFFFE00, s26  }
0x70: {  	s26 =	ssub.s32 $0x280, s26;
	p0 =	sgt.s32 s30, $0x7F;
	s30 =	smul.u32 $0x1400, s11  }
.Ltmp5:
0x71: {  	s29 =	sadd.s32 s2, s31;
	s26 =	simm.s32 @p0 $0x0;
	(pc) =	sbr.rel .LBB1_7-.Ltmp5, $4  }
0x72: {  	s26 =	smul.u32 s26, s27;
	s31 =	sadd.s32 s30, s29;
	s29 =	sand.u32 $0x7, s25  }
0x73: {  	s25 =	sshrl.u32 s25, $0x3;
	s24 =	sadd.s32 s24, s31;
	s30 =	sshll.u32 s29, $0x12  }
0x74: {  	s26 =	sand.u32 $0x3FFFFFFF, s26;
	s24 =	sadd.s32 s25, s24;
	s31 =	sor.u32 $0x400, s30  }
0x75: {  	[hbm4b:s24+s31] =	stream.strided.scatter [tilespmem:s23], [sflag:$0x2], s26, s9, s31, $0x38;
	[tilespmem:$0x10000] =	vst v63  }
.LBB1_8:
0x76: {  	_ =	sfence.sel $0x180000  }
0x77: {  	s2 =	simm.s32 $0x1;
	[bflag:$0x0] =	sbarrier.arrive $0xFFFF  }
0x78: {  	s31 =	simm.s32 $0x2;
	[sflag:s2] =	ssyncpa.u1 $0x1  }
0x79: {  	[sflag:s31] =	ssyncpa.u1 $0x1  }
0x7a: {  	p0 =	sne.s32 s0, $0x0;
	_ =	strace $0x9000004A  }
0x7b: {  	s0 =	sadd.s32 @!p0 $0x100000, s1;
	[bflag:$0x2] =	sbarrier.arrive $0xFFFF  }
0x7c: {  	[sflag:s0] =	ssyncadd.tile.s32 @!p0 $0x1;
	_ =	shalt  }
.Lfunc_end1:
_tile_overlayer_lowered:
.L_overlay_start_2:
0x7d: {  	(tag) =	ssettag $0x2  }
0x7e: {  	s0 =	rddreg [dreg:$0x0];
	s2 =	stileid.u32  }
0x7f: {  	s1 =	rddreg [dreg:$0x1];
	p0 =	sne.s32 s2, $0x0  }
0x80: {  	s3 =	rddreg [dreg:$0x2];
	[bflag:$0x3] =	sbarrier.arrive $0xFFFF;
	s2 =	simm.s32 @!p0 $0x1C01  }
0x81: {  	[timem:s3], [sflag:s2] =	dma.local @!p0 [hbm:s0], s1  }
0x82: {  	s0 =	simm.s32 @!p0 $0x1  }
0x83: {  	_ =	swait.ge @!p0 [sflag:s0], s1  }
0x84: {  	s1 =	ssub.s32 @!p0 $0x0, s1;
	[sflag:s0] =	ssyncset.done @!p0 $0x0  }
0x85: {  	[sflag:s0] =	ssyncadd.s32 @!p0 s1  }
0x86: {  	[bflag:$0x3] =	sbarrier.arrive $0xFFFF  }
0x87: {  	_ =	shalt  }

</sc_bundles>
